<compile_context>
chip_gen: v7x
topology: tpu7x:2x2x1
jax: 0.10.2.dev20260603
libtpu: 0.0.44.dev20260713+nightly
codegen_flags: <defaults>
</compile_context>

<pallas_src>
import jax
import jax.numpy as jnp
from jax import lax
from jax.experimental import pallas as pl
from jax.experimental.pallas import tpu as pltpu
from jax.experimental.pallas import tpu_sc as plsc

C, H, W = 9, 180, 240
B, N = 16, 125000
NEG = 0.1

NP = 131072
CN = 8192
VOX_PER_B = 2 * C * H * W
NUM_VOX = VOX_PER_B * B

NS = 16
ROW = 128
ROWS_PER_CHUNK = 16
CHUNK = ROW * ROWS_PER_CHUNK
PAIRS_PER_BATCH = C * NP
PAIRS_PER_TEC = PAIRS_PER_BATCH // NS
CHUNKS_PER_TEC = PAIRS_PER_TEC // CHUNK
CHUNKS_PER_BATCH = PAIRS_PER_BATCH // CHUNK
ACC_PAD = 786432
ZSTRIPE = ACC_PAD // NS
ZBUF = 8192
OSTRIPE = VOX_PER_B // NS
OPIECES = [(i * ZBUF, ZBUF) for i in range(OSTRIPE // ZBUF)]
OPIECES.append((OSTRIPE - OSTRIPE % ZBUF, OSTRIPE % ZBUF))


def _tc_body(ev_ref, w1_ref, b1a_ref, w2_ref, b2_ref, w3_ref, b3_ref,
             idx_ref, val_ref):
    ev = ev_ref[0]
    x = ev[0:1, :]
    y = ev[1:2, :]
    t = ev[2:3, :]
    p = ev[3:4, :]
    b = pl.program_id(0)
    bf = b.astype(jnp.float32)
    p2 = (p + 1.0) / 2.0
    idx_before = ((x + 240.0 * y) + 388800.0 * p2) + 777600.0 * bf
    w1 = w1_ref[...]
    w2 = w2_ref[...]
    b2 = b2_ref[...]
    w3 = w3_ref[...]
    b3 = b3_ref[...]
    q = w1 * t
    for i in range(C):
        h1 = q + b1a_ref[:, i:i + 1]
        h1 = jnp.maximum(h1, NEG * h1)
        h2 = jnp.dot(w2, h1, preferred_element_type=jnp.float32) + b2
        h2 = jnp.maximum(h2, NEG * h2)
        h3 = jnp.dot(w3, h2, preferred_element_type=jnp.float32) + b3
        val = t * h3
        idxf = idx_before + float(W * H * i)
        idxg = jnp.clip(idxf, 0.0, float(NUM_VOX - 1)).astype(jnp.int32)
        lidx = idxg - b * VOX_PER_B
        lidx = jnp.clip(lidx, 0, VOX_PER_B - 1)
        idx_ref[0, i] = lidx[0]
        val_ref[0, i] = val[0]


def _tc_stage(ev_t, w1, b1, w2, b2, w3, b3):
    grid = (B, NP // CN)
    wspec = lambda shape: pl.BlockSpec(shape, lambda bb, nn: (0, 0))
    return pl.pallas_call(
        _tc_body,
        grid=grid,
        in_specs=[
            pl.BlockSpec((1, 4, CN), lambda bb, nn: (bb, 0, nn)),
            wspec((16, 1)), wspec((16, C)), wspec((16, 16)),
            wspec((16, 1)), wspec((1, 16)), wspec((1, 1)),
        ],
        out_specs=[
            pl.BlockSpec((1, C, CN), lambda bb, nn: (bb, 0, nn)),
            pl.BlockSpec((1, C, CN), lambda bb, nn: (bb, 0, nn)),
        ],
        out_shape=[
            jax.ShapeDtypeStruct((B, C, NP), jnp.int32),
            jax.ShapeDtypeStruct((B, C, NP), jnp.float32),
        ],
    )(ev_t, w1, b1, w2, b2, w3, b3)


def _sc_body(idx_hbm, val_hbm, out_hbm, acc, zbuf, idx_buf, val_buf, obuf, sem):
    c = lax.axis_index("c")
    s = lax.axis_index("s")

    def _fill(j, _):
        zbuf[pl.ds(j * 16, 16)] = jnp.zeros((16,), jnp.float32)
        return 0
    lax.fori_loop(0, ZBUF // 16, _fill, 0)

    def batch_body(bi, _):
        b = c * (B // 2) + bi
        def zero_body(z, _):
            off = pl.multiple_of(s * ZSTRIPE + z * ZBUF, 8)
            pltpu.sync_copy(zbuf, acc.at[pl.ds(off, ZBUF)])
            return 0
        lax.fori_loop(0, ZSTRIPE // ZBUF, zero_body, 0)
        plsc.subcore_barrier()

        base_cid = b * CHUNKS_PER_BATCH + s * CHUNKS_PER_TEC

        def chunk_body(ch, _):
            cid = base_cid + ch
            ld1 = pltpu.async_copy(idx_hbm.at[cid], idx_buf, sem)
            ld2 = pltpu.async_copy(val_hbm.at[cid], val_buf, sem)
            ld1.wait()
            ld2.wait()
            cps = []
            for r in range(ROWS_PER_CHUNK):
                cps.append(pltpu.async_copy(
                    val_buf.at[r], acc.at[idx_buf.at[r]], sem, add=True))
            for cp in cps:
                cp.wait()
            return 0
        lax.fori_loop(0, CHUNKS_PER_TEC, chunk_body, 0)
        plsc.subcore_barrier()

        for poff, plen in OPIECES:
            src_off = pl.multiple_of(s * OSTRIPE + poff, 8)
            dst_off = pl.multiple_of(b * VOX_PER_B + s * OSTRIPE + poff, 8)
            pltpu.sync_copy(acc.at[pl.ds(src_off, plen)],
                            obuf.at[pl.ds(0, plen)])
            pltpu.sync_copy(obuf.at[pl.ds(0, plen)],
                            out_hbm.at[pl.ds(dst_off, plen)])
        return 0

    lax.fori_loop(0, B // 2, batch_body, 0)


def _sc_scatter(idx3, val3):
    fn = pl.kernel(
        _sc_body,
        out_type=jax.ShapeDtypeStruct((NUM_VOX,), jnp.float32),
        mesh=plsc.VectorSubcoreMesh(core_axis_name="c", subcore_axis_name="s"),
        scratch_types=[
            pltpu.VMEM_SHARED((ACC_PAD,), jnp.float32),
            pltpu.VMEM((ZBUF,), jnp.float32),
            pltpu.VMEM((ROWS_PER_CHUNK, ROW), jnp.int32),
            pltpu.VMEM((ROWS_PER_CHUNK, ROW), jnp.float32),
            pltpu.VMEM((ZBUF,), jnp.float32),
            pltpu.SemaphoreType.DMA,
        ],
    )
    return fn(idx3, val3)


@jax.jit
def _run(events, w1, b1, w2, b2, w3, b3):
    ev_t = jnp.transpose(events, (0, 2, 1))
    ev_t = jnp.pad(ev_t, ((0, 0), (0, 0), (0, NP - N)))
    w1c = w1.reshape(16, 1)
    bins = (jnp.arange(C, dtype=jnp.float32) / (C - 1)).reshape(1, C)
    b1a = b1.reshape(16, 1) - w1c * bins
    idx, val = _tc_stage(
        ev_t, w1c, b1a, w2,
        b2.reshape(16, 1), w3.reshape(1, 16), b3.reshape(1, 1),
    )
    idx3 = idx.reshape(B * CHUNKS_PER_BATCH, ROWS_PER_CHUNK, ROW)
    val3 = val.reshape(B * CHUNKS_PER_BATCH, ROWS_PER_CHUNK, ROW)
    vox = _sc_scatter(idx3, val3)
    return vox.reshape(B, 2 * C, H, W)


def kernel(events_list, device, w1, b1, w2, b2, w3, b3):
    return _run(events_list, w1, b1, w2, b2, w3, b3)

# --- scband reference (transcript-rebuilt; emitter-appended) ---
"""Pipeline reference for scband-quantization-layer-41154376630529 (READ-ONLY COPY).

The authoritative reference and input builder live on the scoring server;
editing this copy changes nothing except your own understanding.
"""

import jax, jax.numpy as jnp
import numpy as np

C, H, W = 9, 180, 240
B, N = 16, 125000
NEG = 0.1


def _value_layer(t, w1, b1, w2, b2, w3, b3):
    h = t[..., None]
    h = jax.nn.leaky_relu(h @ w1.T + b1, NEG)
    h = jax.nn.leaky_relu(h @ w2.T + b2, NEG)
    h = h @ w3.T + b3
    return jnp.squeeze(h, -1)


def _forward(events, w1, b1, w2, b2, w3, b3):
    Bc = events.shape[0]
    x = events[..., 0].reshape(-1)
    y = events[..., 1].reshape(-1)
    t = events[..., 2].reshape(-1)
    p = events[..., 3].reshape(-1)
    b = jnp.repeat(jnp.arange(Bc, dtype=jnp.float32), events.shape[1])
    p = (p + 1.0) / 2.0
    num_voxels = 2 * C * H * W * Bc
    idx_before = x + W * y + W * H * C * p + W * H * C * 2 * b
    vox = jnp.zeros((num_voxels,), dtype=jnp.float32)
    for i_bin in range(C):
        values = t * _value_layer(t - i_bin / (C - 1), w1, b1, w2, b2, w3, b3)
        idx = jnp.clip(idx_before + W * H * i_bin, 0, num_voxels - 1).astype(jnp.int32)
        vox = vox.at[idx].add(values)
    vox = vox.reshape(-1, 2, C, H, W)
    vox = jnp.concatenate([vox[:, 0], vox[:, 1]], axis=1)
    return vox


def setup_inputs(seed: int = 0):
    key = jax.random.key(seed)
    ks = jax.random.split(key, 8)
    events = jax.random.uniform(ks[0], (B, N, 4), dtype=jnp.float32)
    w1 = jax.random.normal(ks[1], (16, 1), dtype=jnp.float32) * 0.5
    b1 = jax.random.normal(ks[2], (16,), dtype=jnp.float32) * 0.1
    w2 = jax.random.normal(ks[3], (16, 16), dtype=jnp.float32) * 0.25
    b2 = jax.random.normal(ks[4], (16,), dtype=jnp.float32) * 0.1
    w3 = jax.random.normal(ks[5], (1, 16), dtype=jnp.float32) * 0.25
    b3 = jax.random.normal(ks[6], (1,), dtype=jnp.float32) * 0.1
    return {"events_list": events, "device": 0, "w1": w1, "b1": b1, "w2": w2, "b2": b2, "w3": w3, "b3": b3}


def reference(events_list, device, w1, b1, w2, b2, w3, b3):
    return _forward(events_list, w1, b1, w2, b2, w3, b3)

if __name__ == "__main__":
    import jax
    _d = setup_inputs()
    print(jax.jit(kernel)(*tuple(_d.values())))

</pallas_src>

<mosaic_0001>
#map = affine_map<(d0, d1) -> (0, 0, 0)>
#map1 = affine_map<(d0, d1) -> (0)>
module attributes {stable_mosaic.version = 14 : i64} {
  func.func @_sc_body(%arg0: i32, %arg1: i32, %arg2: memref<9216x16x128xi32, #tpu.memory_space<hbm>>, %arg3: memref<9216x16x128xf32, #tpu.memory_space<hbm>>, %arg4: memref<12441600xf32, #tpu.memory_space<hbm>>, %arg5: memref<786432xf32, #tpu.memory_space<vmem_shared>>, %arg6: memref<8192xf32, #tpu.memory_space<vmem>>, %arg7: memref<16x128xi32, #tpu.memory_space<vmem>>, %arg8: memref<16x128xf32, #tpu.memory_space<vmem>>, %arg9: memref<8192xf32, #tpu.memory_space<vmem>>, %arg10: memref<!tpu.dma_semaphore, #tpu.memory_space<semaphore_mem>>) attributes {dimension_semantics = [#tpu.dimension_semantics<core_parallel>, #tpu.dimension_semantics<subcore_parallel>], iteration_bounds = array<i64: 2, 16>, scalar_prefetch = 0 : i64, scratch_operands = 6 : i64, tpu.core_type = #tpu.core_type<sc_vector_subcore>, window_params = [{transform_indices = #map}, {transform_indices = #map}, {transform_indices = #map1}]} {
    %scan3A = arith.constant 0 : i32
    %scan3A_0 = arith.constant 0 : i32
    %scan3A_1 = arith.constant 512 : i32
    %scan3A_2 = arith.addi %scan3A_0, %scan3A_1 : i32
    %scan3A_3 = arith.constant 1 : i32
    %scan3A_4 = scf.for %scan3A_13 = %scan3A_0 to %scan3A_2 step %scan3A_3 iter_args(%scan3A_14 = %scan3A) -> (i32)  : i32 {
      %broadcast_in_dim3A = arith.constant 0.000000e+00 : f32
      %broadcast_in_dim3A_15 = vector.broadcast %broadcast_in_dim3A : f32 to vector<16xf32>
      %mul3A = arith.constant 16 : i32
      %mul3A_16 = arith.muli %scan3A_13, %mul3A : i32
      %swap3A = arith.index_cast %mul3A_16 : i32 to index
      %swap3A_17 = tpu.vector_load %arg6[%swap3A] {strides = array<i32>} : memref<8192xf32, #tpu.memory_space<vmem>>, vector<16xf32>,
      %swap3A_18 = vector.shape_cast %swap3A_17 : vector<16xf32> to vector<16xf32>
      %swap3A_19 = vector.shape_cast %broadcast_in_dim3A_15 : vector<16xf32> to vector<16xf32>
      tpu.vector_store %arg6[%swap3A], %swap3A_19 {strides = array<i32>} : memref<8192xf32, #tpu.memory_space<vmem>>, vector<16xf32>,
      %scan3A_20 = arith.constant 0 : i32
      scf.yield %scan3A_20 : i32
    }
    %scan3A_5 = arith.constant 512 : i32
    %scan3A_6 = arith.constant 0 : i32
    %scan3A_7 = arith.constant 0 : i32
    %scan3A_8 = arith.constant 8 : i32
    %scan3A_9 = arith.addi %scan3A_7, %scan3A_8 : i32
    %scan3A_10 = arith.constant 1 : i32
    %scan3A_11 = scf.for %scan3A_13 = %scan3A_7 to %scan3A_9 step %scan3A_10 iter_args(%scan3A_14 = %scan3A_6) -> (i32)  : i32 {
      %mul3A = arith.constant 8 : i32
      %mul3A_15 = arith.muli %arg0, %mul3A : i32
      %add3A = arith.addi %mul3A_15, %scan3A_13 : i32
      %scan3A_16 = arith.constant 0 : i32
      %scan3A_17 = arith.constant 0 : i32
      %scan3A_18 = arith.constant 6 : i32
      %scan3A_19 = arith.addi %scan3A_17, %scan3A_18 : i32
      %scan3A_20 = arith.constant 1 : i32
      %scan3A_21 = scf.for %scan3A_114 = %scan3A_17 to %scan3A_19 step %scan3A_20 iter_args(%scan3A_115 = %scan3A_16) -> (i32)  : i32 {
        %mul3A_116 = arith.constant 49152 : i32
        %mul3A_117 = arith.muli %arg1, %mul3A_116 : i32
        %mul3A_118 = arith.constant 8192 : i32
        %mul3A_119 = arith.muli %scan3A_114, %mul3A_118 : i32
        %add3A_120 = arith.addi %mul3A_117, %mul3A_119 : i32
        %multiple_of3A_121 = tpu.assume_multiple %add3A_120, 8 : i32
        "tpu.region"() ({
          %run_scoped3A = tpu.sem_alloc : memref<!tpu.dma_semaphore, #tpu.memory_space<semaphore_mem>>
          %dma_start3A = tpu.memref_slice %arg5[%multiple_of3A_121] : memref<786432xf32, #tpu.memory_space<vmem_shared>> -> memref<8192xf32, #tpu.memory_space<vmem_shared>>
          %dma_start3A_123 = tpu.memref_slice %arg5[%multiple_of3A_121] : memref<786432xf32, #tpu.memory_space<vmem_shared>> -> memref<8192xf32, #tpu.memory_space<vmem_shared>>
          tpu.enqueue_dma source(%arg6 : memref<8192xf32, #tpu.memory_space<vmem>>) target(%dma_start3A_123 : memref<8192xf32, #tpu.memory_space<vmem_shared>>) target_semaphore(%run_scoped3A : memref<!tpu.dma_semaphore, #tpu.memory_space<semaphore_mem>>)
          %dma_wait3A = tpu.memref_slice %arg5[%multiple_of3A_121] : memref<786432xf32, #tpu.memory_space<vmem_shared>> -> memref<8192xf32, #tpu.memory_space<vmem_shared>>
          %dma_wait3A_124 = tpu.memref_slice %arg5[%multiple_of3A_121] : memref<786432xf32, #tpu.memory_space<vmem_shared>> -> memref<8192xf32, #tpu.memory_space<vmem_shared>>
          tpu.wait_dma2 semaphore(%run_scoped3A : memref<!tpu.dma_semaphore, #tpu.memory_space<semaphore_mem>>) src(%arg6 : memref<8192xf32, #tpu.memory_space<vmem>>) dst(%dma_wait3A_124 : memref<8192xf32, #tpu.memory_space<vmem_shared>>)
          tpu.yield
        }) : () -> ()
        %scan3A_122 = arith.constant 0 : i32
        scf.yield %scan3A_122 : i32
      }
      %scan3A_22 = arith.constant 6 : i32
      %barrier3A = arith.constant 0 : index
      tpu.barrier barrier_id(%barrier3A)
      %mul3A_23 = arith.constant 576 : i32
      %mul3A_24 = arith.muli %add3A, %mul3A_23 : i32
      %mul3A_25 = arith.constant 36 : i32
      %mul3A_26 = arith.muli %arg1, %mul3A_25 : i32
      %add3A_27 = arith.addi %mul3A_24, %mul3A_26 : i32
      %scan3A_28 = arith.constant 0 : i32
      %scan3A_29 = arith.constant 0 : i32
      %scan3A_30 = arith.constant 36 : i32
      %scan3A_31 = arith.addi %scan3A_29, %scan3A_30 : i32
      %scan3A_32 = arith.constant 1 : i32
      %scan3A_33 = scf.for %scan3A_114 = %scan3A_29 to %scan3A_31 step %scan3A_32 iter_args(%scan3A_115 = %scan3A_28) -> (i32)  : i32 {
        %add3A_116 = arith.addi %add3A_27, %scan3A_114 : i32
        %dma_start3A = arith.constant 0 : i32
        %dma_start3A_117 = arith.constant 0 : i32
        %dma_start3A_118 = tpu.memref_slice %arg2[%add3A_116, %dma_start3A, %dma_start3A_117] : memref<9216x16x128xi32, #tpu.memory_space<hbm>> -> memref<1x16x128xi32, #tpu.memory_space<hbm>>
        %dma_start3A_119 = tpu.memref_squeeze %dma_start3A_118 : memref<1x16x128xi32, #tpu.memory_space<hbm>> -> memref<16x128xi32, #tpu.memory_space<hbm>>
        %dma_start3A_120 = arith.constant 0 : i32
        %dma_start3A_121 = arith.constant 0 : i32
        %dma_start3A_122 = tpu.memref_slice %arg2[%add3A_116, %dma_start3A_120, %dma_start3A_121] : memref<9216x16x128xi32, #tpu.memory_space<hbm>> -> memref<1x16x128xi32, #tpu.memory_space<hbm>>
        %dma_start3A_123 = tpu.memref_squeeze %dma_start3A_122 : memref<1x16x128xi32, #tpu.memory_space<hbm>> -> memref<16x128xi32, #tpu.memory_space<hbm>>
        tpu.enqueue_dma source(%dma_start3A_123 : memref<16x128xi32, #tpu.memory_space<hbm>>) target(%arg7 : memref<16x128xi32, #tpu.memory_space<vmem>>) target_semaphore(%arg10 : memref<!tpu.dma_semaphore, #tpu.memory_space<semaphore_mem>>)
        %dma_start3A_124 = arith.constant 0 : i32
        %dma_start3A_125 = arith.constant 0 : i32
        %dma_start3A_126 = tpu.memref_slice %arg3[%add3A_116, %dma_start3A_124, %dma_start3A_125] : memref<9216x16x128xf32, #tpu.memory_space<hbm>> -> memref<1x16x128xf32, #tpu.memory_space<hbm>>
        %dma_start3A_127 = tpu.memref_squeeze %dma_start3A_126 : memref<1x16x128xf32, #tpu.memory_space<hbm>> -> memref<16x128xf32, #tpu.memory_space<hbm>>
        %dma_start3A_128 = arith.constant 0 : i32
        %dma_start3A_129 = arith.constant 0 : i32
        %dma_start3A_130 = tpu.memref_slice %arg3[%add3A_116, %dma_start3A_128, %dma_start3A_129] : memref<9216x16x128xf32, #tpu.memory_space<hbm>> -> memref<1x16x128xf32, #tpu.memory_space<hbm>>
        %dma_start3A_131 = tpu.memref_squeeze %dma_start3A_130 : memref<1x16x128xf32, #tpu.memory_space<hbm>> -> memref<16x128xf32, #tpu.memory_space<hbm>>
        tpu.enqueue_dma source(%dma_start3A_131 : memref<16x128xf32, #tpu.memory_space<hbm>>) target(%arg8 : memref<16x128xf32, #tpu.memory_space<vmem>>) target_semaphore(%arg10 : memref<!tpu.dma_semaphore, #tpu.memory_space<semaphore_mem>>)
        %dma_wait3A = arith.constant 0 : i32
        %dma_wait3A_132 = arith.constant 0 : i32
        %dma_wait3A_133 = tpu.memref_slice %arg2[%add3A_116, %dma_wait3A, %dma_wait3A_132] : memref<9216x16x128xi32, #tpu.memory_space<hbm>> -> memref<1x16x128xi32, #tpu.memory_space<hbm>>
        %dma_wait3A_134 = tpu.memref_squeeze %dma_wait3A_133 : memref<1x16x128xi32, #tpu.memory_space<hbm>> -> memref<16x128xi32, #tpu.memory_space<hbm>>
        %dma_wait3A_135 = arith.constant 0 : i32
        %dma_wait3A_136 = arith.constant 0 : i32
        %dma_wait3A_137 = tpu.memref_slice %arg2[%add3A_116, %dma_wait3A_135, %dma_wait3A_136] : memref<9216x16x128xi32, #tpu.memory_space<hbm>> -> memref<1x16x128xi32, #tpu.memory_space<hbm>>
        %dma_wait3A_138 = tpu.memref_squeeze %dma_wait3A_137 : memref<1x16x128xi32, #tpu.memory_space<hbm>> -> memref<16x128xi32, #tpu.memory_space<hbm>>
        tpu.wait_dma2 semaphore(%arg10 : memref<!tpu.dma_semaphore, #tpu.memory_space<semaphore_mem>>) src(%dma_wait3A_138 : memref<16x128xi32, #tpu.memory_space<hbm>>) dst(%arg7 : memref<16x128xi32, #tpu.memory_space<vmem>>)
        %dma_wait3A_139 = arith.constant 0 : i32
        %dma_wait3A_140 = arith.constant 0 : i32
        %dma_wait3A_141 = tpu.memref_slice %arg3[%add3A_116, %dma_wait3A_139, %dma_wait3A_140] : memref<9216x16x128xf32, #tpu.memory_space<hbm>> -> memref<1x16x128xf32, #tpu.memory_space<hbm>>
        %dma_wait3A_142 = tpu.memref_squeeze %dma_wait3A_141 : memref<1x16x128xf32, #tpu.memory_space<hbm>> -> memref<16x128xf32, #tpu.memory_space<hbm>>
        %dma_wait3A_143 = arith.constant 0 : i32
        %dma_wait3A_144 = arith.constant 0 : i32
        %dma_wait3A_145 = tpu.memref_slice %arg3[%add3A_116, %dma_wait3A_143, %dma_wait3A_144] : memref<9216x16x128xf32, #tpu.memory_space<hbm>> -> memref<1x16x128xf32, #tpu.memory_space<hbm>>
        %dma_wait3A_146 = tpu.memref_squeeze %dma_wait3A_145 : memref<1x16x128xf32, #tpu.memory_space<hbm>> -> memref<16x128xf32, #tpu.memory_space<hbm>>
        tpu.wait_dma2 semaphore(%arg10 : memref<!tpu.dma_semaphore, #tpu.memory_space<semaphore_mem>>) src(%dma_wait3A_146 : memref<16x128xf32, #tpu.memory_space<hbm>>) dst(%arg8 : memref<16x128xf32, #tpu.memory_space<vmem>>)
        %dma_start3A_147 = arith.constant 0 : i32
        %dma_start3A_148 = arith.constant 0 : i32
        %dma_start3A_149 = arith.constant 0 : i32
        %dma_start3A_150 = tpu.memref_slice %arg8[%dma_start3A_147, %dma_start3A_149] : memref<16x128xf32, #tpu.memory_space<vmem>> -> memref<1x128xf32, #tpu.memory_space<vmem>>
        %dma_start3A_151 = tpu.memref_squeeze %dma_start3A_150 : memref<1x128xf32, #tpu.memory_space<vmem>> -> memref<128xf32, #tpu.memory_space<vmem>>
        %dma_start3A_152 = arith.constant 0 : i32
        %dma_start3A_153 = tpu.memref_slice %arg7[%dma_start3A_148, %dma_start3A_152] : memref<16x128xi32, #tpu.memory_space<vmem>> -> memref<1x128xi32, #tpu.memory_space<vmem>>
        %dma_start3A_154 = tpu.memref_squeeze %dma_start3A_153 : memref<1x128xi32, #tpu.memory_space<vmem>> -> memref<128xi32, #tpu.memory_space<vmem>>
        %dma_start3A_155 = arith.constant 0 : i32
        %dma_start3A_156 = tpu.memref_slice %arg5[%dma_start3A_155] : memref<786432xf32, #tpu.memory_space<vmem_shared>> -> memref<786432xf32, #tpu.memory_space<vmem_shared>>
        tpu.enqueue_indirect_dma source(%dma_start3A_151 : memref<128xf32, #tpu.memory_space<vmem>>) target(%dma_start3A_156 : memref<786432xf32, #tpu.memory_space<vmem_shared>>) offsets(%dma_start3A_154 : memref<128xi32, #tpu.memory_space<vmem>>) semaphore(%arg10 : memref<!tpu.dma_semaphore, #tpu.memory_space<semaphore_mem>>) {add = true}
        %dma_start3A_157 = arith.constant 1 : i32
        %dma_start3A_158 = arith.constant 1 : i32
        %dma_start3A_159 = arith.constant 0 : i32
        %dma_start3A_160 = tpu.memref_slice %arg8[%dma_start3A_157, %dma_start3A_159] : memref<16x128xf32, #tpu.memory_space<vmem>> -> memref<1x128xf32, #tpu.memory_space<vmem>>
        %dma_start3A_161 = tpu.memref_squeeze %dma_start3A_160 : memref<1x128xf32, #tpu.memory_space<vmem>> -> memref<128xf32, #tpu.memory_space<vmem>>
        %dma_start3A_162 = arith.constant 0 : i32
        %dma_start3A_163 = tpu.memref_slice %arg7[%dma_start3A_158, %dma_start3A_162] : memref<16x128xi32, #tpu.memory_space<vmem>> -> memref<1x128xi32, #tpu.memory_space<vmem>>
        %dma_start3A_164 = tpu.memref_squeeze %dma_start3A_163 : memref<1x128xi32, #tpu.memory_space<vmem>> -> memref<128xi32, #tpu.memory_space<vmem>>
        %dma_start3A_165 = arith.constant 0 : i32
        %dma_start3A_166 = tpu.memref_slice %arg5[%dma_start3A_165] : memref<786432xf32, #tpu.memory_space<vmem_shared>> -> memref<786432xf32, #tpu.memory_space<vmem_shared>>
        tpu.enqueue_indirect_dma source(%dma_start3A_161 : memref<128xf32, #tpu.memory_space<vmem>>) target(%dma_start3A_166 : memref<786432xf32, #tpu.memory_space<vmem_shared>>) offsets(%dma_start3A_164 : memref<128xi32, #tpu.memory_space<vmem>>) semaphore(%arg10 : memref<!tpu.dma_semaphore, #tpu.memory_space<semaphore_mem>>) {add = true}
        %dma_start3A_167 = arith.constant 2 : i32
        %dma_start3A_168 = arith.constant 2 : i32
        %dma_start3A_169 = arith.constant 0 : i32
        %dma_start3A_170 = tpu.memref_slice %arg8[%dma_start3A_167, %dma_start3A_169] : memref<16x128xf32, #tpu.memory_space<vmem>> -> memref<1x128xf32, #tpu.memory_space<vmem>>
        %dma_start3A_171 = tpu.memref_squeeze %dma_start3A_170 : memref<1x128xf32, #tpu.memory_space<vmem>> -> memref<128xf32, #tpu.memory_space<vmem>>
        %dma_start3A_172 = arith.constant 0 : i32
        %dma_start3A_173 = tpu.memref_slice %arg7[%dma_start3A_168, %dma_start3A_172] : memref<16x128xi32, #tpu.memory_space<vmem>> -> memref<1x128xi32, #tpu.memory_space<vmem>>
        %dma_start3A_174 = tpu.memref_squeeze %dma_start3A_173 : memref<1x128xi32, #tpu.memory_space<vmem>> -> memref<128xi32, #tpu.memory_space<vmem>>
        %dma_start3A_175 = arith.constant 0 : i32
        %dma_start3A_176 = tpu.memref_slice %arg5[%dma_start3A_175] : memref<786432xf32, #tpu.memory_space<vmem_shared>> -> memref<786432xf32, #tpu.memory_space<vmem_shared>>
        tpu.enqueue_indirect_dma source(%dma_start3A_171 : memref<128xf32, #tpu.memory_space<vmem>>) target(%dma_start3A_176 : memref<786432xf32, #tpu.memory_space<vmem_shared>>) offsets(%dma_start3A_174 : memref<128xi32, #tpu.memory_space<vmem>>) semaphore(%arg10 : memref<!tpu.dma_semaphore, #tpu.memory_space<semaphore_mem>>) {add = true}
        %dma_start3A_177 = arith.constant 3 : i32
        %dma_start3A_178 = arith.constant 3 : i32
        %dma_start3A_179 = arith.constant 0 : i32
        %dma_start3A_180 = tpu.memref_slice %arg8[%dma_start3A_177, %dma_start3A_179] : memref<16x128xf32, #tpu.memory_space<vmem>> -> memref<1x128xf32, #tpu.memory_space<vmem>>
        %dma_start3A_181 = tpu.memref_squeeze %dma_start3A_180 : memref<1x128xf32, #tpu.memory_space<vmem>> -> memref<128xf32, #tpu.memory_space<vmem>>
        %dma_start3A_182 = arith.constant 0 : i32
        %dma_start3A_183 = tpu.memref_slice %arg7[%dma_start3A_178, %dma_start3A_182] : memref<16x128xi32, #tpu.memory_space<vmem>> -> memref<1x128xi32, #tpu.memory_space<vmem>>
        %dma_start3A_184 = tpu.memref_squeeze %dma_start3A_183 : memref<1x128xi32, #tpu.memory_space<vmem>> -> memref<128xi32, #tpu.memory_space<vmem>>
        %dma_start3A_185 = arith.constant 0 : i32
        %dma_start3A_186 = tpu.memref_slice %arg5[%dma_start3A_185] : memref<786432xf32, #tpu.memory_space<vmem_shared>> -> memref<786432xf32, #tpu.memory_space<vmem_shared>>
        tpu.enqueue_indirect_dma source(%dma_start3A_181 : memref<128xf32, #tpu.memory_space<vmem>>) target(%dma_start3A_186 : memref<786432xf32, #tpu.memory_space<vmem_shared>>) offsets(%dma_start3A_184 : memref<128xi32, #tpu.memory_space<vmem>>) semaphore(%arg10 : memref<!tpu.dma_semaphore, #tpu.memory_space<semaphore_mem>>) {add = true}
        %dma_start3A_187 = arith.constant 4 : i32
        %dma_start3A_188 = arith.constant 4 : i32
        %dma_start3A_189 = arith.constant 0 : i32
        %dma_start3A_190 = tpu.memref_slice %arg8[%dma_start3A_187, %dma_start3A_189] : memref<16x128xf32, #tpu.memory_space<vmem>> -> memref<1x128xf32, #tpu.memory_space<vmem>>
        %dma_start3A_191 = tpu.memref_squeeze %dma_start3A_190 : memref<1x128xf32, #tpu.memory_space<vmem>> -> memref<128xf32, #tpu.memory_space<vmem>>
        %dma_start3A_192 = arith.constant 0 : i32
        %dma_start3A_193 = tpu.memref_slice %arg7[%dma_start3A_188, %dma_start3A_192] : memref<16x128xi32, #tpu.memory_space<vmem>> -> memref<1x128xi32, #tpu.memory_space<vmem>>
        %dma_start3A_194 = tpu.memref_squeeze %dma_start3A_193 : memref<1x128xi32, #tpu.memory_space<vmem>> -> memref<128xi32, #tpu.memory_space<vmem>>
        %dma_start3A_195 = arith.constant 0 : i32
        %dma_start3A_196 = tpu.memref_slice %arg5[%dma_start3A_195] : memref<786432xf32, #tpu.memory_space<vmem_shared>> -> memref<786432xf32, #tpu.memory_space<vmem_shared>>
        tpu.enqueue_indirect_dma source(%dma_start3A_191 : memref<128xf32, #tpu.memory_space<vmem>>) target(%dma_start3A_196 : memref<786432xf32, #tpu.memory_space<vmem_shared>>) offsets(%dma_start3A_194 : memref<128xi32, #tpu.memory_space<vmem>>) semaphore(%arg10 : memref<!tpu.dma_semaphore, #tpu.memory_space<semaphore_mem>>) {add = true}
        %dma_start3A_197 = arith.constant 5 : i32
        %dma_start3A_198 = arith.constant 5 : i32
        %dma_start3A_199 = arith.constant 0 : i32
        %dma_start3A_200 = tpu.memref_slice %arg8[%dma_start3A_197, %dma_start3A_199] : memref<16x128xf32, #tpu.memory_space<vmem>> -> memref<1x128xf32, #tpu.memory_space<vmem>>
        %dma_start3A_201 = tpu.memref_squeeze %dma_start3A_200 : memref<1x128xf32, #tpu.memory_space<vmem>> -> memref<128xf32, #tpu.memory_space<vmem>>
        %dma_start3A_202 = arith.constant 0 : i32
        %dma_start3A_203 = tpu.memref_slice %arg7[%dma_start3A_198, %dma_start3A_202] : memref<16x128xi32, #tpu.memory_space<vmem>> -> memref<1x128xi32, #tpu.memory_space<vmem>>
        %dma_start3A_204 = tpu.memref_squeeze %dma_start3A_203 : memref<1x128xi32, #tpu.memory_space<vmem>> -> memref<128xi32, #tpu.memory_space<vmem>>
        %dma_start3A_205 = arith.constant 0 : i32
        %dma_start3A_206 = tpu.memref_slice %arg5[%dma_start3A_205] : memref<786432xf32, #tpu.memory_space<vmem_shared>> -> memref<786432xf32, #tpu.memory_space<vmem_shared>>
        tpu.enqueue_indirect_dma source(%dma_start3A_201 : memref<128xf32, #tpu.memory_space<vmem>>) target(%dma_start3A_206 : memref<786432xf32, #tpu.memory_space<vmem_shared>>) offsets(%dma_start3A_204 : memref<128xi32, #tpu.memory_space<vmem>>) semaphore(%arg10 : memref<!tpu.dma_semaphore, #tpu.memory_space<semaphore_mem>>) {add = true}
        %dma_start3A_207 = arith.constant 6 : i32
        %dma_start3A_208 = arith.constant 6 : i32
        %dma_start3A_209 = arith.constant 0 : i32
        %dma_start3A_210 = tpu.memref_slice %arg8[%dma_start3A_207, %dma_start3A_209] : memref<16x128xf32, #tpu.memory_space<vmem>> -> memref<1x128xf32, #tpu.memory_space<vmem>>
        %dma_start3A_211 = tpu.memref_squeeze %dma_start3A_210 : memref<1x128xf32, #tpu.memory_space<vmem>> -> memref<128xf32, #tpu.memory_space<vmem>>
        %dma_start3A_212 = arith.constant 0 : i32
        %dma_start3A_213 = tpu.memref_slice %arg7[%dma_start3A_208, %dma_start3A_212] : memref<16x128xi32, #tpu.memory_space<vmem>> -> memref<1x128xi32, #tpu.memory_space<vmem>>
        %dma_start3A_214 = tpu.memref_squeeze %dma_start3A_213 : memref<1x128xi32, #tpu.memory_space<vmem>> -> memref<128xi32, #tpu.memory_space<vmem>>
        %dma_start3A_215 = arith.constant 0 : i32
        %dma_start3A_216 = tpu.memref_slice %arg5[%dma_start3A_215] : memref<786432xf32, #tpu.memory_space<vmem_shared>> -> memref<786432xf32, #tpu.memory_space<vmem_shared>>
        tpu.enqueue_indirect_dma source(%dma_start3A_211 : memref<128xf32, #tpu.memory_space<vmem>>) target(%dma_start3A_216 : memref<786432xf32, #tpu.memory_space<vmem_shared>>) offsets(%dma_start3A_214 : memref<128xi32, #tpu.memory_space<vmem>>) semaphore(%arg10 : memref<!tpu.dma_semaphore, #tpu.memory_space<semaphore_mem>>) {add = true}
        %dma_start3A_217 = arith.constant 7 : i32
        %dma_start3A_218 = arith.constant 7 : i32
        %dma_start3A_219 = arith.constant 0 : i32
        %dma_start3A_220 = tpu.memref_slice %arg8[%dma_start3A_217, %dma_start3A_219] : memref<16x128xf32, #tpu.memory_space<vmem>> -> memref<1x128xf32, #tpu.memory_space<vmem>>
        %dma_start3A_221 = tpu.memref_squeeze %dma_start3A_220 : memref<1x128xf32, #tpu.memory_space<vmem>> -> memref<128xf32, #tpu.memory_space<vmem>>
        %dma_start3A_222 = arith.constant 0 : i32
        %dma_start3A_223 = tpu.memref_slice %arg7[%dma_start3A_218, %dma_start3A_222] : memref<16x128xi32, #tpu.memory_space<vmem>> -> memref<1x128xi32, #tpu.memory_space<vmem>>
        %dma_start3A_224 = tpu.memref_squeeze %dma_start3A_223 : memref<1x128xi32, #tpu.memory_space<vmem>> -> memref<128xi32, #tpu.memory_space<vmem>>
        %dma_start3A_225 = arith.constant 0 : i32
        %dma_start3A_226 = tpu.memref_slice %arg5[%dma_start3A_225] : memref<786432xf32, #tpu.memory_space<vmem_shared>> -> memref<786432xf32, #tpu.memory_space<vmem_shared>>
        tpu.enqueue_indirect_dma source(%dma_start3A_221 : memref<128xf32, #tpu.memory_space<vmem>>) target(%dma_start3A_226 : memref<786432xf32, #tpu.memory_space<vmem_shared>>) offsets(%dma_start3A_224 : memref<128xi32, #tpu.memory_space<vmem>>) semaphore(%arg10 : memref<!tpu.dma_semaphore, #tpu.memory_space<semaphore_mem>>) {add = true}
        %dma_start3A_227 = arith.constant 8 : i32
        %dma_start3A_228 = arith.constant 8 : i32
        %dma_start3A_229 = arith.constant 0 : i32
        %dma_start3A_230 = tpu.memref_slice %arg8[%dma_start3A_227, %dma_start3A_229] : memref<16x128xf32, #tpu.memory_space<vmem>> -> memref<1x128xf32, #tpu.memory_space<vmem>>
        %dma_start3A_231 = tpu.memref_squeeze %dma_start3A_230 : memref<1x128xf32, #tpu.memory_space<vmem>> -> memref<128xf32, #tpu.memory_space<vmem>>
        %dma_start3A_232 = arith.constant 0 : i32
        %dma_start3A_233 = tpu.memref_slice %arg7[%dma_start3A_228, %dma_start3A_232] : memref<16x128xi32, #tpu.memory_space<vmem>> -> memref<1x128xi32, #tpu.memory_space<vmem>>
        %dma_start3A_234 = tpu.memref_squeeze %dma_start3A_233 : memref<1x128xi32, #tpu.memory_space<vmem>> -> memref<128xi32, #tpu.memory_space<vmem>>
        %dma_start3A_235 = arith.constant 0 : i32
        %dma_start3A_236 = tpu.memref_slice %arg5[%dma_start3A_235] : memref<786432xf32, #tpu.memory_space<vmem_shared>> -> memref<786432xf32, #tpu.memory_space<vmem_shared>>
        tpu.enqueue_indirect_dma source(%dma_start3A_231 : memref<128xf32, #tpu.memory_space<vmem>>) target(%dma_start3A_236 : memref<786432xf32, #tpu.memory_space<vmem_shared>>) offsets(%dma_start3A_234 : memref<128xi32, #tpu.memory_space<vmem>>) semaphore(%arg10 : memref<!tpu.dma_semaphore, #tpu.memory_space<semaphore_mem>>) {add = true}
        %dma_start3A_237 = arith.constant 9 : i32
        %dma_start3A_238 = arith.constant 9 : i32
        %dma_start3A_239 = arith.constant 0 : i32
        %dma_start3A_240 = tpu.memref_slice %arg8[%dma_start3A_237, %dma_start3A_239] : memref<16x128xf32, #tpu.memory_space<vmem>> -> memref<1x128xf32, #tpu.memory_space<vmem>>
        %dma_start3A_241 = tpu.memref_squeeze %dma_start3A_240 : memref<1x128xf32, #tpu.memory_space<vmem>> -> memref<128xf32, #tpu.memory_space<vmem>>
        %dma_start3A_242 = arith.constant 0 : i32
        %dma_start3A_243 = tpu.memref_slice %arg7[%dma_start3A_238, %dma_start3A_242] : memref<16x128xi32, #tpu.memory_space<vmem>> -> memref<1x128xi32, #tpu.memory_space<vmem>>
        %dma_start3A_244 = tpu.memref_squeeze %dma_start3A_243 : memref<1x128xi32, #tpu.memory_space<vmem>> -> memref<128xi32, #tpu.memory_space<vmem>>
        %dma_start3A_245 = arith.constant 0 : i32
        %dma_start3A_246 = tpu.memref_slice %arg5[%dma_start3A_245] : memref<786432xf32, #tpu.memory_space<vmem_shared>> -> memref<786432xf32, #tpu.memory_space<vmem_shared>>
        tpu.enqueue_indirect_dma source(%dma_start3A_241 : memref<128xf32, #tpu.memory_space<vmem>>) target(%dma_start3A_246 : memref<786432xf32, #tpu.memory_space<vmem_shared>>) offsets(%dma_start3A_244 : memref<128xi32, #tpu.memory_space<vmem>>) semaphore(%arg10 : memref<!tpu.dma_semaphore, #tpu.memory_space<semaphore_mem>>) {add = true}
        %dma_start3A_247 = arith.constant 10 : i32
        %dma_start3A_248 = arith.constant 10 : i32
        %dma_start3A_249 = arith.constant 0 : i32
        %dma_start3A_250 = tpu.memref_slice %arg8[%dma_start3A_247, %dma_start3A_249] : memref<16x128xf32, #tpu.memory_space<vmem>> -> memref<1x128xf32, #tpu.memory_space<vmem>>
        %dma_start3A_251 = tpu.memref_squeeze %dma_start3A_250 : memref<1x128xf32, #tpu.memory_space<vmem>> -> memref<128xf32, #tpu.memory_space<vmem>>
        %dma_start3A_252 = arith.constant 0 : i32
        %dma_start3A_253 = tpu.memref_slice %arg7[%dma_start3A_248, %dma_start3A_252] : memref<16x128xi32, #tpu.memory_space<vmem>> -> memref<1x128xi32, #tpu.memory_space<vmem>>
        %dma_start3A_254 = tpu.memref_squeeze %dma_start3A_253 : memref<1x128xi32, #tpu.memory_space<vmem>> -> memref<128xi32, #tpu.memory_space<vmem>>
        %dma_start3A_255 = arith.constant 0 : i32
        %dma_start3A_256 = tpu.memref_slice %arg5[%dma_start3A_255] : memref<786432xf32, #tpu.memory_space<vmem_shared>> -> memref<786432xf32, #tpu.memory_space<vmem_shared>>
        tpu.enqueue_indirect_dma source(%dma_start3A_251 : memref<128xf32, #tpu.memory_space<vmem>>) target(%dma_start3A_256 : memref<786432xf32, #tpu.memory_space<vmem_shared>>) offsets(%dma_start3A_254 : memref<128xi32, #tpu.memory_space<vmem>>) semaphore(%arg10 : memref<!tpu.dma_semaphore, #tpu.memory_space<semaphore_mem>>) {add = true}
        %dma_start3A_257 = arith.constant 11 : i32
        %dma_start3A_258 = arith.constant 11 : i32
        %dma_start3A_259 = arith.constant 0 : i32
        %dma_start3A_260 = tpu.memref_slice %arg8[%dma_start3A_257, %dma_start3A_259] : memref<16x128xf32, #tpu.memory_space<vmem>> -> memref<1x128xf32, #tpu.memory_space<vmem>>
        %dma_start3A_261 = tpu.memref_squeeze %dma_start3A_260 : memref<1x128xf32, #tpu.memory_space<vmem>> -> memref<128xf32, #tpu.memory_space<vmem>>
        %dma_start3A_262 = arith.constant 0 : i32
        %dma_start3A_263 = tpu.memref_slice %arg7[%dma_start3A_258, %dma_start3A_262] : memref<16x128xi32, #tpu.memory_space<vmem>> -> memref<1x128xi32, #tpu.memory_space<vmem>>
        %dma_start3A_264 = tpu.memref_squeeze %dma_start3A_263 : memref<1x128xi32, #tpu.memory_space<vmem>> -> memref<128xi32, #tpu.memory_space<vmem>>
        %dma_start3A_265 = arith.constant 0 : i32
        %dma_start3A_266 = tpu.memref_slice %arg5[%dma_start3A_265] : memref<786432xf32, #tpu.memory_space<vmem_shared>> -> memref<786432xf32, #tpu.memory_space<vmem_shared>>
        tpu.enqueue_indirect_dma source(%dma_start3A_261 : memref<128xf32, #tpu.memory_space<vmem>>) target(%dma_start3A_266 : memref<786432xf32, #tpu.memory_space<vmem_shared>>) offsets(%dma_start3A_264 : memref<128xi32, #tpu.memory_space<vmem>>) semaphore(%arg10 : memref<!tpu.dma_semaphore, #tpu.memory_space<semaphore_mem>>) {add = true}
        %dma_start3A_267 = arith.constant 12 : i32
        %dma_start3A_268 = arith.constant 12 : i32
        %dma_start3A_269 = arith.constant 0 : i32
        %dma_start3A_270 = tpu.memref_slice %arg8[%dma_start3A_267, %dma_start3A_269] : memref<16x128xf32, #tpu.memory_space<vmem>> -> memref<1x128xf32, #tpu.memory_space<vmem>>
        %dma_start3A_271 = tpu.memref_squeeze %dma_start3A_270 : memref<1x128xf32, #tpu.memory_space<vmem>> -> memref<128xf32, #tpu.memory_space<vmem>>
        %dma_start3A_272 = arith.constant 0 : i32
        %dma_start3A_273 = tpu.memref_slice %arg7[%dma_start3A_268, %dma_start3A_272] : memref<16x128xi32, #tpu.memory_space<vmem>> -> memref<1x128xi32, #tpu.memory_space<vmem>>
        %dma_start3A_274 = tpu.memref_squeeze %dma_start3A_273 : memref<1x128xi32, #tpu.memory_space<vmem>> -> memref<128xi32, #tpu.memory_space<vmem>>
        %dma_start3A_275 = arith.constant 0 : i32
        %dma_start3A_276 = tpu.memref_slice %arg5[%dma_start3A_275] : memref<786432xf32, #tpu.memory_space<vmem_shared>> -> memref<786432xf32, #tpu.memory_space<vmem_shared>>
        tpu.enqueue_indirect_dma source(%dma_start3A_271 : memref<128xf32, #tpu.memory_space<vmem>>) target(%dma_start3A_276 : memref<786432xf32, #tpu.memory_space<vmem_shared>>) offsets(%dma_start3A_274 : memref<128xi32, #tpu.memory_space<vmem>>) semaphore(%arg10 : memref<!tpu.dma_semaphore, #tpu.memory_space<semaphore_mem>>) {add = true}
        %dma_start3A_277 = arith.constant 13 : i32
        %dma_start3A_278 = arith.constant 13 : i32
        %dma_start3A_279 = arith.constant 0 : i32
        %dma_start3A_280 = tpu.memref_slice %arg8[%dma_start3A_277, %dma_start3A_279] : memref<16x128xf32, #tpu.memory_space<vmem>> -> memref<1x128xf32, #tpu.memory_space<vmem>>
        %dma_start3A_281 = tpu.memref_squeeze %dma_start3A_280 : memref<1x128xf32, #tpu.memory_space<vmem>> -> memref<128xf32, #tpu.memory_space<vmem>>
        %dma_start3A_282 = arith.constant 0 : i32
        %dma_start3A_283 = tpu.memref_slice %arg7[%dma_start3A_278, %dma_start3A_282] : memref<16x128xi32, #tpu.memory_space<vmem>> -> memref<1x128xi32, #tpu.memory_space<vmem>>
        %dma_start3A_284 = tpu.memref_squeeze %dma_start3A_283 : memref<1x128xi32, #tpu.memory_space<vmem>> -> memref<128xi32, #tpu.memory_space<vmem>>
        %dma_start3A_285 = arith.constant 0 : i32
        %dma_start3A_286 = tpu.memref_slice %arg5[%dma_start3A_285] : memref<786432xf32, #tpu.memory_space<vmem_shared>> -> memref<786432xf32, #tpu.memory_space<vmem_shared>>
        tpu.enqueue_indirect_dma source(%dma_start3A_281 : memref<128xf32, #tpu.memory_space<vmem>>) target(%dma_start3A_286 : memref<786432xf32, #tpu.memory_space<vmem_shared>>) offsets(%dma_start3A_284 : memref<128xi32, #tpu.memory_space<vmem>>) semaphore(%arg10 : memref<!tpu.dma_semaphore, #tpu.memory_space<semaphore_mem>>) {add = true}
        %dma_start3A_287 = arith.constant 14 : i32
        %dma_start3A_288 = arith.constant 14 : i32
        %dma_start3A_289 = arith.constant 0 : i32
        %dma_start3A_290 = tpu.memref_slice %arg8[%dma_start3A_287, %dma_start3A_289] : memref<16x128xf32, #tpu.memory_space<vmem>> -> memref<1x128xf32, #tpu.memory_space<vmem>>
        %dma_start3A_291 = tpu.memref_squeeze %dma_start3A_290 : memref<1x128xf32, #tpu.memory_space<vmem>> -> memref<128xf32, #tpu.memory_space<vmem>>
        %dma_start3A_292 = arith.constant 0 : i32
        %dma_start3A_293 = tpu.memref_slice %arg7[%dma_start3A_288, %dma_start3A_292] : memref<16x128xi32, #tpu.memory_space<vmem>> -> memref<1x128xi32, #tpu.memory_space<vmem>>
        %dma_start3A_294 = tpu.memref_squeeze %dma_start3A_293 : memref<1x128xi32, #tpu.memory_space<vmem>> -> memref<128xi32, #tpu.memory_space<vmem>>
        %dma_start3A_295 = arith.constant 0 : i32
        %dma_start3A_296 = tpu.memref_slice %arg5[%dma_start3A_295] : memref<786432xf32, #tpu.memory_space<vmem_shared>> -> memref<786432xf32, #tpu.memory_space<vmem_shared>>
        tpu.enqueue_indirect_dma source(%dma_start3A_291 : memref<128xf32, #tpu.memory_space<vmem>>) target(%dma_start3A_296 : memref<786432xf32, #tpu.memory_space<vmem_shared>>) offsets(%dma_start3A_294 : memref<128xi32, #tpu.memory_space<vmem>>) semaphore(%arg10 : memref<!tpu.dma_semaphore, #tpu.memory_space<semaphore_mem>>) {add = true}
        %dma_start3A_297 = arith.constant 15 : i32
        %dma_start3A_298 = arith.constant 15 : i32
        %dma_start3A_299 = arith.constant 0 : i32
        %dma_start3A_300 = tpu.memref_slice %arg8[%dma_start3A_297, %dma_start3A_299] : memref<16x128xf32, #tpu.memory_space<vmem>> -> memref<1x128xf32, #tpu.memory_space<vmem>>
        %dma_start3A_301 = tpu.memref_squeeze %dma_start3A_300 : memref<1x128xf32, #tpu.memory_space<vmem>> -> memref<128xf32, #tpu.memory_space<vmem>>
        %dma_start3A_302 = arith.constant 0 : i32
        %dma_start3A_303 = tpu.memref_slice %arg7[%dma_start3A_298, %dma_start3A_302] : memref<16x128xi32, #tpu.memory_space<vmem>> -> memref<1x128xi32, #tpu.memory_space<vmem>>
        %dma_start3A_304 = tpu.memref_squeeze %dma_start3A_303 : memref<1x128xi32, #tpu.memory_space<vmem>> -> memref<128xi32, #tpu.memory_space<vmem>>
        %dma_start3A_305 = arith.constant 0 : i32
        %dma_start3A_306 = tpu.memref_slice %arg5[%dma_start3A_305] : memref<786432xf32, #tpu.memory_space<vmem_shared>> -> memref<786432xf32, #tpu.memory_space<vmem_shared>>
        tpu.enqueue_indirect_dma source(%dma_start3A_301 : memref<128xf32, #tpu.memory_space<vmem>>) target(%dma_start3A_306 : memref<786432xf32, #tpu.memory_space<vmem_shared>>) offsets(%dma_start3A_304 : memref<128xi32, #tpu.memory_space<vmem>>) semaphore(%arg10 : memref<!tpu.dma_semaphore, #tpu.memory_space<semaphore_mem>>) {add = true}
        %dma_wait3A_307 = arith.constant 0 : i32
        %dma_wait3A_308 = arith.constant 0 : i32
        %dma_wait3A_309 = arith.constant 0 : i32
        %dma_wait3A_310 = tpu.memref_slice %arg8[%dma_wait3A_307, %dma_wait3A_309] : memref<16x128xf32, #tpu.memory_space<vmem>> -> memref<1x128xf32, #tpu.memory_space<vmem>>
        %dma_wait3A_311 = tpu.memref_squeeze %dma_wait3A_310 : memref<1x128xf32, #tpu.memory_space<vmem>> -> memref<128xf32, #tpu.memory_space<vmem>>
        %dma_wait3A_312 = arith.constant 0 : i32
        %dma_wait3A_313 = tpu.memref_slice %arg7[%dma_wait3A_308, %dma_wait3A_312] : memref<16x128xi32, #tpu.memory_space<vmem>> -> memref<1x128xi32, #tpu.memory_space<vmem>>
        %dma_wait3A_314 = tpu.memref_squeeze %dma_wait3A_313 : memref<1x128xi32, #tpu.memory_space<vmem>> -> memref<128xi32, #tpu.memory_space<vmem>>
        %dma_wait3A_315 = arith.constant 0 : i32
        %dma_wait3A_316 = tpu.memref_slice %arg5[%dma_wait3A_315] : memref<786432xf32, #tpu.memory_space<vmem_shared>> -> memref<786432xf32, #tpu.memory_space<vmem_shared>>
        tpu.wait_indirect_dma semaphore(%arg10 : memref<!tpu.dma_semaphore, #tpu.memory_space<semaphore_mem>>) src(%dma_wait3A_311 : memref<128xf32, #tpu.memory_space<vmem>>) dst(%dma_wait3A_316 : memref<786432xf32, #tpu.memory_space<vmem_shared>>)
        %dma_wait3A_317 = arith.constant 1 : i32
        %dma_wait3A_318 = arith.constant 1 : i32
        %dma_wait3A_319 = arith.constant 0 : i32
        %dma_wait3A_320 = tpu.memref_slice %arg8[%dma_wait3A_317, %dma_wait3A_319] : memref<16x128xf32, #tpu.memory_space<vmem>> -> memref<1x128xf32, #tpu.memory_space<vmem>>
        %dma_wait3A_321 = tpu.memref_squeeze %dma_wait3A_320 : memref<1x128xf32, #tpu.memory_space<vmem>> -> memref<128xf32, #tpu.memory_space<vmem>>
        %dma_wait3A_322 = arith.constant 0 : i32
        %dma_wait3A_323 = tpu.memref_slice %arg7[%dma_wait3A_318, %dma_wait3A_322] : memref<16x128xi32, #tpu.memory_space<vmem>> -> memref<1x128xi32, #tpu.memory_space<vmem>>
        %dma_wait3A_324 = tpu.memref_squeeze %dma_wait3A_323 : memref<1x128xi32, #tpu.memory_space<vmem>> -> memref<128xi32, #tpu.memory_space<vmem>>
        %dma_wait3A_325 = arith.constant 0 : i32
        %dma_wait3A_326 = tpu.memref_slice %arg5[%dma_wait3A_325] : memref<786432xf32, #tpu.memory_space<vmem_shared>> -> memref<786432xf32, #tpu.memory_space<vmem_shared>>
        tpu.wait_indirect_dma semaphore(%arg10 : memref<!tpu.dma_semaphore, #tpu.memory_space<semaphore_mem>>) src(%dma_wait3A_321 : memref<128xf32, #tpu.memory_space<vmem>>) dst(%dma_wait3A_326 : memref<786432xf32, #tpu.memory_space<vmem_shared>>)
        %dma_wait3A_327 = arith.constant 2 : i32
        %dma_wait3A_328 = arith.constant 2 : i32
        %dma_wait3A_329 = arith.constant 0 : i32
        %dma_wait3A_330 = tpu.memref_slice %arg8[%dma_wait3A_327, %dma_wait3A_329] : memref<16x128xf32, #tpu.memory_space<vmem>> -> memref<1x128xf32, #tpu.memory_space<vmem>>
        %dma_wait3A_331 = tpu.memref_squeeze %dma_wait3A_330 : memref<1x128xf32, #tpu.memory_space<vmem>> -> memref<128xf32, #tpu.memory_space<vmem>>
        %dma_wait3A_332 = arith.constant 0 : i32
        %dma_wait3A_333 = tpu.memref_slice %arg7[%dma_wait3A_328, %dma_wait3A_332] : memref<16x128xi32, #tpu.memory_space<vmem>> -> memref<1x128xi32, #tpu.memory_space<vmem>>
        %dma_wait3A_334 = tpu.memref_squeeze %dma_wait3A_333 : memref<1x128xi32, #tpu.memory_space<vmem>> -> memref<128xi32, #tpu.memory_space<vmem>>
        %dma_wait3A_335 = arith.constant 0 : i32
        %dma_wait3A_336 = tpu.memref_slice %arg5[%dma_wait3A_335] : memref<786432xf32, #tpu.memory_space<vmem_shared>> -> memref<786432xf32, #tpu.memory_space<vmem_shared>>
        tpu.wait_indirect_dma semaphore(%arg10 : memref<!tpu.dma_semaphore, #tpu.memory_space<semaphore_mem>>) src(%dma_wait3A_331 : memref<128xf32, #tpu.memory_space<vmem>>) dst(%dma_wait3A_336 : memref<786432xf32, #tpu.memory_space<vmem_shared>>)
        %dma_wait3A_337 = arith.constant 3 : i32
        %dma_wait3A_338 = arith.constant 3 : i32
        %dma_wait3A_339 = arith.constant 0 : i32
        %dma_wait3A_340 = tpu.memref_slice %arg8[%dma_wait3A_337, %dma_wait3A_339] : memref<16x128xf32, #tpu.memory_space<vmem>> -> memref<1x128xf32, #tpu.memory_space<vmem>>
        %dma_wait3A_341 = tpu.memref_squeeze %dma_wait3A_340 : memref<1x128xf32, #tpu.memory_space<vmem>> -> memref<128xf32, #tpu.memory_space<vmem>>
        %dma_wait3A_342 = arith.constant 0 : i32
        %dma_wait3A_343 = tpu.memref_slice %arg7[%dma_wait3A_338, %dma_wait3A_342] : memref<16x128xi32, #tpu.memory_space<vmem>> -> memref<1x128xi32, #tpu.memory_space<vmem>>
        %dma_wait3A_344 = tpu.memref_squeeze %dma_wait3A_343 : memref<1x128xi32, #tpu.memory_space<vmem>> -> memref<128xi32, #tpu.memory_space<vmem>>
        %dma_wait3A_345 = arith.constant 0 : i32
        %dma_wait3A_346 = tpu.memref_slice %arg5[%dma_wait3A_345] : memref<786432xf32, #tpu.memory_space<vmem_shared>> -> memref<786432xf32, #tpu.memory_space<vmem_shared>>
        tpu.wait_indirect_dma semaphore(%arg10 : memref<!tpu.dma_semaphore, #tpu.memory_space<semaphore_mem>>) src(%dma_wait3A_341 : memref<128xf32, #tpu.memory_space<vmem>>) dst(%dma_wait3A_346 : memref<786432xf32, #tpu.memory_space<vmem_shared>>)
        %dma_wait3A_347 = arith.constant 4 : i32
        %dma_wait3A_348 = arith.constant 4 : i32
        %dma_wait3A_349 = arith.constant 0 : i32
        %dma_wait3A_350 = tpu.memref_slice %arg8[%dma_wait3A_347, %dma_wait3A_349] : memref<16x128xf32, #tpu.memory_space<vmem>> -> memref<1x128xf32, #tpu.memory_space<vmem>>
        %dma_wait3A_351 = tpu.memref_squeeze %dma_wait3A_350 : memref<1x128xf32, #tpu.memory_space<vmem>> -> memref<128xf32, #tpu.memory_space<vmem>>
        %dma_wait3A_352 = arith.constant 0 : i32
        %dma_wait3A_353 = tpu.memref_slice %arg7[%dma_wait3A_348, %dma_wait3A_352] : memref<16x128xi32, #tpu.memory_space<vmem>> -> memref<1x128xi32, #tpu.memory_space<vmem>>
        %dma_wait3A_354 = tpu.memref_squeeze %dma_wait3A_353 : memref<1x128xi32, #tpu.memory_space<vmem>> -> memref<128xi32, #tpu.memory_space<vmem>>
        %dma_wait3A_355 = arith.constant 0 : i32
        %dma_wait3A_356 = tpu.memref_slice %arg5[%dma_wait3A_355] : memref<786432xf32, #tpu.memory_space<vmem_shared>> -> memref<786432xf32, #tpu.memory_space<vmem_shared>>
        tpu.wait_indirect_dma semaphore(%arg10 : memref<!tpu.dma_semaphore, #tpu.memory_space<semaphore_mem>>) src(%dma_wait3A_351 : memref<128xf32, #tpu.memory_space<vmem>>) dst(%dma_wait3A_356 : memref<786432xf32, #tpu.memory_space<vmem_shared>>)
        %dma_wait3A_357 = arith.constant 5 : i32
        %dma_wait3A_358 = arith.constant 5 : i32
        %dma_wait3A_359 = arith.constant 0 : i32
        %dma_wait3A_360 = tpu.memref_slice %arg8[%dma_wait3A_357, %dma_wait3A_359] : memref<16x128xf32, #tpu.memory_space<vmem>> -> memref<1x128xf32, #tpu.memory_space<vmem>>
        %dma_wait3A_361 = tpu.memref_squeeze %dma_wait3A_360 : memref<1x128xf32, #tpu.memory_space<vmem>> -> memref<128xf32, #tpu.memory_space<vmem>>
        %dma_wait3A_362 = arith.constant 0 : i32
        %dma_wait3A_363 = tpu.memref_slice %arg7[%dma_wait3A_358, %dma_wait3A_362] : memref<16x128xi32, #tpu.memory_space<vmem>> -> memref<1x128xi32, #tpu.memory_space<vmem>>
        %dma_wait3A_364 = tpu.memref_squeeze %dma_wait3A_363 : memref<1x128xi32, #tpu.memory_space<vmem>> -> memref<128xi32, #tpu.memory_space<vmem>>
        %dma_wait3A_365 = arith.constant 0 : i32
        %dma_wait3A_366 = tpu.memref_slice %arg5[%dma_wait3A_365] : memref<786432xf32, #tpu.memory_space<vmem_shared>> -> memref<786432xf32, #tpu.memory_space<vmem_shared>>
        tpu.wait_indirect_dma semaphore(%arg10 : memref<!tpu.dma_semaphore, #tpu.memory_space<semaphore_mem>>) src(%dma_wait3A_361 : memref<128xf32, #tpu.memory_space<vmem>>) dst(%dma_wait3A_366 : memref<786432xf32, #tpu.memory_space<vmem_shared>>)
        %dma_wait3A_367 = arith.constant 6 : i32
        %dma_wait3A_368 = arith.constant 6 : i32
        %dma_wait3A_369 = arith.constant 0 : i32
        %dma_wait3A_370 = tpu.memref_slice %arg8[%dma_wait3A_367, %dma_wait3A_369] : memref<16x128xf32, #tpu.memory_space<vmem>> -> memref<1x128xf32, #tpu.memory_space<vmem>>
        %dma_wait3A_371 = tpu.memref_squeeze %dma_wait3A_370 : memref<1x128xf32, #tpu.memory_space<vmem>> -> memref<128xf32, #tpu.memory_space<vmem>>
        %dma_wait3A_372 = arith.constant 0 : i32
        %dma_wait3A_373 = tpu.memref_slice %arg7[%dma_wait3A_368, %dma_wait3A_372] : memref<16x128xi32, #tpu.memory_space<vmem>> -> memref<1x128xi32, #tpu.memory_space<vmem>>
        %dma_wait3A_374 = tpu.memref_squeeze %dma_wait3A_373 : memref<1x128xi32, #tpu.memory_space<vmem>> -> memref<128xi32, #tpu.memory_space<vmem>>
        %dma_wait3A_375 = arith.constant 0 : i32
        %dma_wait3A_376 = tpu.memref_slice %arg5[%dma_wait3A_375] : memref<786432xf32, #tpu.memory_space<vmem_shared>> -> memref<786432xf32, #tpu.memory_space<vmem_shared>>
        tpu.wait_indirect_dma semaphore(%arg10 : memref<!tpu.dma_semaphore, #tpu.memory_space<semaphore_mem>>) src(%dma_wait3A_371 : memref<128xf32, #tpu.memory_space<vmem>>) dst(%dma_wait3A_376 : memref<786432xf32, #tpu.memory_space<vmem_shared>>)
        %dma_wait3A_377 = arith.constant 7 : i32
        %dma_wait3A_378 = arith.constant 7 : i32
        %dma_wait3A_379 = arith.constant 0 : i32
        %dma_wait3A_380 = tpu.memref_slice %arg8[%dma_wait3A_377, %dma_wait3A_379] : memref<16x128xf32, #tpu.memory_space<vmem>> -> memref<1x128xf32, #tpu.memory_space<vmem>>
        %dma_wait3A_381 = tpu.memref_squeeze %dma_wait3A_380 : memref<1x128xf32, #tpu.memory_space<vmem>> -> memref<128xf32, #tpu.memory_space<vmem>>
        %dma_wait3A_382 = arith.constant 0 : i32
        %dma_wait3A_383 = tpu.memref_slice %arg7[%dma_wait3A_378, %dma_wait3A_382] : memref<16x128xi32, #tpu.memory_space<vmem>> -> memref<1x128xi32, #tpu.memory_space<vmem>>
        %dma_wait3A_384 = tpu.memref_squeeze %dma_wait3A_383 : memref<1x128xi32, #tpu.memory_space<vmem>> -> memref<128xi32, #tpu.memory_space<vmem>>
        %dma_wait3A_385 = arith.constant 0 : i32
        %dma_wait3A_386 = tpu.memref_slice %arg5[%dma_wait3A_385] : memref<786432xf32, #tpu.memory_space<vmem_shared>> -> memref<786432xf32, #tpu.memory_space<vmem_shared>>
        tpu.wait_indirect_dma semaphore(%arg10 : memref<!tpu.dma_semaphore, #tpu.memory_space<semaphore_mem>>) src(%dma_wait3A_381 : memref<128xf32, #tpu.memory_space<vmem>>) dst(%dma_wait3A_386 : memref<786432xf32, #tpu.memory_space<vmem_shared>>)
        %dma_wait3A_387 = arith.constant 8 : i32
        %dma_wait3A_388 = arith.constant 8 : i32
        %dma_wait3A_389 = arith.constant 0 : i32
        %dma_wait3A_390 = tpu.memref_slice %arg8[%dma_wait3A_387, %dma_wait3A_389] : memref<16x128xf32, #tpu.memory_space<vmem>> -> memref<1x128xf32, #tpu.memory_space<vmem>>
        %dma_wait3A_391 = tpu.memref_squeeze %dma_wait3A_390 : memref<1x128xf32, #tpu.memory_space<vmem>> -> memref<128xf32, #tpu.memory_space<vmem>>
        %dma_wait3A_392 = arith.constant 0 : i32
        %dma_wait3A_393 = tpu.memref_slice %arg7[%dma_wait3A_388, %dma_wait3A_392] : memref<16x128xi32, #tpu.memory_space<vmem>> -> memref<1x128xi32, #tpu.memory_space<vmem>>
        %dma_wait3A_394 = tpu.memref_squeeze %dma_wait3A_393 : memref<1x128xi32, #tpu.memory_space<vmem>> -> memref<128xi32, #tpu.memory_space<vmem>>
        %dma_wait3A_395 = arith.constant 0 : i32
        %dma_wait3A_396 = tpu.memref_slice %arg5[%dma_wait3A_395] : memref<786432xf32, #tpu.memory_space<vmem_shared>> -> memref<786432xf32, #tpu.memory_space<vmem_shared>>
        tpu.wait_indirect_dma semaphore(%arg10 : memref<!tpu.dma_semaphore, #tpu.memory_space<semaphore_mem>>) src(%dma_wait3A_391 : memref<128xf32, #tpu.memory_space<vmem>>) dst(%dma_wait3A_396 : memref<786432xf32, #tpu.memory_space<vmem_shared>>)
        %dma_wait3A_397 = arith.constant 9 : i32
        %dma_wait3A_398 = arith.constant 9 : i32
        %dma_wait3A_399 = arith.constant 0 : i32
        %dma_wait3A_400 = tpu.memref_slice %arg8[%dma_wait3A_397, %dma_wait3A_399] : memref<16x128xf32, #tpu.memory_space<vmem>> -> memref<1x128xf32, #tpu.memory_space<vmem>>
        %dma_wait3A_401 = tpu.memref_squeeze %dma_wait3A_400 : memref<1x128xf32, #tpu.memory_space<vmem>> -> memref<128xf32, #tpu.memory_space<vmem>>
        %dma_wait3A_402 = arith.constant 0 : i32
        %dma_wait3A_403 = tpu.memref_slice %arg7[%dma_wait3A_398, %dma_wait3A_402] : memref<16x128xi32, #tpu.memory_space<vmem>> -> memref<1x128xi32, #tpu.memory_space<vmem>>
        %dma_wait3A_404 = tpu.memref_squeeze %dma_wait3A_403 : memref<1x128xi32, #tpu.memory_space<vmem>> -> memref<128xi32, #tpu.memory_space<vmem>>
        %dma_wait3A_405 = arith.constant 0 : i32
        %dma_wait3A_406 = tpu.memref_slice %arg5[%dma_wait3A_405] : memref<786432xf32, #tpu.memory_space<vmem_shared>> -> memref<786432xf32, #tpu.memory_space<vmem_shared>>
        tpu.wait_indirect_dma semaphore(%arg10 : memref<!tpu.dma_semaphore, #tpu.memory_space<semaphore_mem>>) src(%dma_wait3A_401 : memref<128xf32, #tpu.memory_space<vmem>>) dst(%dma_wait3A_406 : memref<786432xf32, #tpu.memory_space<vmem_shared>>)
        %dma_wait3A_407 = arith.constant 10 : i32
        %dma_wait3A_408 = arith.constant 10 : i32
        %dma_wait3A_409 = arith.constant 0 : i32
        %dma_wait3A_410 = tpu.memref_slice %arg8[%dma_wait3A_407, %dma_wait3A_409] : memref<16x128xf32, #tpu.memory_space<vmem>> -> memref<1x128xf32, #tpu.memory_space<vmem>>
        %dma_wait3A_411 = tpu.memref_squeeze %dma_wait3A_410 : memref<1x128xf32, #tpu.memory_space<vmem>> -> memref<128xf32, #tpu.memory_space<vmem>>
        %dma_wait3A_412 = arith.constant 0 : i32
        %dma_wait3A_413 = tpu.memref_slice %arg7[%dma_wait3A_408, %dma_wait3A_412] : memref<16x128xi32, #tpu.memory_space<vmem>> -> memref<1x128xi32, #tpu.memory_space<vmem>>
        %dma_wait3A_414 = tpu.memref_squeeze %dma_wait3A_413 : memref<1x128xi32, #tpu.memory_space<vmem>> -> memref<128xi32, #tpu.memory_space<vmem>>
        %dma_wait3A_415 = arith.constant 0 : i32
        %dma_wait3A_416 = tpu.memref_slice %arg5[%dma_wait3A_415] : memref<786432xf32, #tpu.memory_space<vmem_shared>> -> memref<786432xf32, #tpu.memory_space<vmem_shared>>
        tpu.wait_indirect_dma semaphore(%arg10 : memref<!tpu.dma_semaphore, #tpu.memory_space<semaphore_mem>>) src(%dma_wait3A_411 : memref<128xf32, #tpu.memory_space<vmem>>) dst(%dma_wait3A_416 : memref<786432xf32, #tpu.memory_space<vmem_shared>>)
        %dma_wait3A_417 = arith.constant 11 : i32
        %dma_wait3A_418 = arith.constant 11 : i32
        %dma_wait3A_419 = arith.constant 0 : i32
        %dma_wait3A_420 = tpu.memref_slice %arg8[%dma_wait3A_417, %dma_wait3A_419] : memref<16x128xf32, #tpu.memory_space<vmem>> -> memref<1x128xf32, #tpu.memory_space<vmem>>
        %dma_wait3A_421 = tpu.memref_squeeze %dma_wait3A_420 : memref<1x128xf32, #tpu.memory_space<vmem>> -> memref<128xf32, #tpu.memory_space<vmem>>
        %dma_wait3A_422 = arith.constant 0 : i32
        %dma_wait3A_423 = tpu.memref_slice %arg7[%dma_wait3A_418, %dma_wait3A_422] : memref<16x128xi32, #tpu.memory_space<vmem>> -> memref<1x128xi32, #tpu.memory_space<vmem>>
        %dma_wait3A_424 = tpu.memref_squeeze %dma_wait3A_423 : memref<1x128xi32, #tpu.memory_space<vmem>> -> memref<128xi32, #tpu.memory_space<vmem>>
        %dma_wait3A_425 = arith.constant 0 : i32
        %dma_wait3A_426 = tpu.memref_slice %arg5[%dma_wait3A_425] : memref<786432xf32, #tpu.memory_space<vmem_shared>> -> memref<786432xf32, #tpu.memory_space<vmem_shared>>
        tpu.wait_indirect_dma semaphore(%arg10 : memref<!tpu.dma_semaphore, #tpu.memory_space<semaphore_mem>>) src(%dma_wait3A_421 : memref<128xf32, #tpu.memory_space<vmem>>) dst(%dma_wait3A_426 : memref<786432xf32, #tpu.memory_space<vmem_shared>>)
        %dma_wait3A_427 = arith.constant 12 : i32
        %dma_wait3A_428 = arith.constant 12 : i32
        %dma_wait3A_429 = arith.constant 0 : i32
        %dma_wait3A_430 = tpu.memref_slice %arg8[%dma_wait3A_427, %dma_wait3A_429] : memref<16x128xf32, #tpu.memory_space<vmem>> -> memref<1x128xf32, #tpu.memory_space<vmem>>
        %dma_wait3A_431 = tpu.memref_squeeze %dma_wait3A_430 : memref<1x128xf32, #tpu.memory_space<vmem>> -> memref<128xf32, #tpu.memory_space<vmem>>
        %dma_wait3A_432 = arith.constant 0 : i32
        %dma_wait3A_433 = tpu.memref_slice %arg7[%dma_wait3A_428, %dma_wait3A_432] : memref<16x128xi32, #tpu.memory_space<vmem>> -> memref<1x128xi32, #tpu.memory_space<vmem>>
        %dma_wait3A_434 = tpu.memref_squeeze %dma_wait3A_433 : memref<1x128xi32, #tpu.memory_space<vmem>> -> memref<128xi32, #tpu.memory_space<vmem>>
        %dma_wait3A_435 = arith.constant 0 : i32
        %dma_wait3A_436 = tpu.memref_slice %arg5[%dma_wait3A_435] : memref<786432xf32, #tpu.memory_space<vmem_shared>> -> memref<786432xf32, #tpu.memory_space<vmem_shared>>
        tpu.wait_indirect_dma semaphore(%arg10 : memref<!tpu.dma_semaphore, #tpu.memory_space<semaphore_mem>>) src(%dma_wait3A_431 : memref<128xf32, #tpu.memory_space<vmem>>) dst(%dma_wait3A_436 : memref<786432xf32, #tpu.memory_space<vmem_shared>>)
        %dma_wait3A_437 = arith.constant 13 : i32
        %dma_wait3A_438 = arith.constant 13 : i32
        %dma_wait3A_439 = arith.constant 0 : i32
        %dma_wait3A_440 = tpu.memref_slice %arg8[%dma_wait3A_437, %dma_wait3A_439] : memref<16x128xf32, #tpu.memory_space<vmem>> -> memref<1x128xf32, #tpu.memory_space<vmem>>
        %dma_wait3A_441 = tpu.memref_squeeze %dma_wait3A_440 : memref<1x128xf32, #tpu.memory_space<vmem>> -> memref<128xf32, #tpu.memory_space<vmem>>
        %dma_wait3A_442 = arith.constant 0 : i32
        %dma_wait3A_443 = tpu.memref_slice %arg7[%dma_wait3A_438, %dma_wait3A_442] : memref<16x128xi32, #tpu.memory_space<vmem>> -> memref<1x128xi32, #tpu.memory_space<vmem>>
        %dma_wait3A_444 = tpu.memref_squeeze %dma_wait3A_443 : memref<1x128xi32, #tpu.memory_space<vmem>> -> memref<128xi32, #tpu.memory_space<vmem>>
        %dma_wait3A_445 = arith.constant 0 : i32
        %dma_wait3A_446 = tpu.memref_slice %arg5[%dma_wait3A_445] : memref<786432xf32, #tpu.memory_space<vmem_shared>> -> memref<786432xf32, #tpu.memory_space<vmem_shared>>
        tpu.wait_indirect_dma semaphore(%arg10 : memref<!tpu.dma_semaphore, #tpu.memory_space<semaphore_mem>>) src(%dma_wait3A_441 : memref<128xf32, #tpu.memory_space<vmem>>) dst(%dma_wait3A_446 : memref<786432xf32, #tpu.memory_space<vmem_shared>>)
        %dma_wait3A_447 = arith.constant 14 : i32
        %dma_wait3A_448 = arith.constant 14 : i32
        %dma_wait3A_449 = arith.constant 0 : i32
        %dma_wait3A_450 = tpu.memref_slice %arg8[%dma_wait3A_447, %dma_wait3A_449] : memref<16x128xf32, #tpu.memory_space<vmem>> -> memref<1x128xf32, #tpu.memory_space<vmem>>
        %dma_wait3A_451 = tpu.memref_squeeze %dma_wait3A_450 : memref<1x128xf32, #tpu.memory_space<vmem>> -> memref<128xf32, #tpu.memory_space<vmem>>
        %dma_wait3A_452 = arith.constant 0 : i32
        %dma_wait3A_453 = tpu.memref_slice %arg7[%dma_wait3A_448, %dma_wait3A_452] : memref<16x128xi32, #tpu.memory_space<vmem>> -> memref<1x128xi32, #tpu.memory_space<vmem>>
        %dma_wait3A_454 = tpu.memref_squeeze %dma_wait3A_453 : memref<1x128xi32, #tpu.memory_space<vmem>> -> memref<128xi32, #tpu.memory_space<vmem>>
        %dma_wait3A_455 = arith.constant 0 : i32
        %dma_wait3A_456 = tpu.memref_slice %arg5[%dma_wait3A_455] : memref<786432xf32, #tpu.memory_space<vmem_shared>> -> memref<786432xf32, #tpu.memory_space<vmem_shared>>
        tpu.wait_indirect_dma semaphore(%arg10 : memref<!tpu.dma_semaphore, #tpu.memory_space<semaphore_mem>>) src(%dma_wait3A_451 : memref<128xf32, #tpu.memory_space<vmem>>) dst(%dma_wait3A_456 : memref<786432xf32, #tpu.memory_space<vmem_shared>>)
        %dma_wait3A_457 = arith.constant 15 : i32
        %dma_wait3A_458 = arith.constant 15 : i32
        %dma_wait3A_459 = arith.constant 0 : i32
        %dma_wait3A_460 = tpu.memref_slice %arg8[%dma_wait3A_457, %dma_wait3A_459] : memref<16x128xf32, #tpu.memory_space<vmem>> -> memref<1x128xf32, #tpu.memory_space<vmem>>
        %dma_wait3A_461 = tpu.memref_squeeze %dma_wait3A_460 : memref<1x128xf32, #tpu.memory_space<vmem>> -> memref<128xf32, #tpu.memory_space<vmem>>
        %dma_wait3A_462 = arith.constant 0 : i32
        %dma_wait3A_463 = tpu.memref_slice %arg7[%dma_wait3A_458, %dma_wait3A_462] : memref<16x128xi32, #tpu.memory_space<vmem>> -> memref<1x128xi32, #tpu.memory_space<vmem>>
        %dma_wait3A_464 = tpu.memref_squeeze %dma_wait3A_463 : memref<1x128xi32, #tpu.memory_space<vmem>> -> memref<128xi32, #tpu.memory_space<vmem>>
        %dma_wait3A_465 = arith.constant 0 : i32
        %dma_wait3A_466 = tpu.memref_slice %arg5[%dma_wait3A_465] : memref<786432xf32, #tpu.memory_space<vmem_shared>> -> memref<786432xf32, #tpu.memory_space<vmem_shared>>
        tpu.wait_indirect_dma semaphore(%arg10 : memref<!tpu.dma_semaphore, #tpu.memory_space<semaphore_mem>>) src(%dma_wait3A_461 : memref<128xf32, #tpu.memory_space<vmem>>) dst(%dma_wait3A_466 : memref<786432xf32, #tpu.memory_space<vmem_shared>>)
        %scan3A_467 = arith.constant 0 : i32
        scf.yield %scan3A_467 : i32
      }
      %scan3A_34 = arith.constant 36 : i32
      %barrier3A_35 = arith.constant 0 : index
      tpu.barrier barrier_id(%barrier3A_35)
      %mul3A_36 = arith.constant 48600 : i32
      %mul3A_37 = arith.muli %arg1, %mul3A_36 : i32
      %add3A_38 = arith.constant 0 : i32
      %add3A_39 = arith.addi %mul3A_37, %add3A_38 : i32
      %multiple_of3A = tpu.assume_multiple %add3A_39, 8 : i32
      %mul3A_40 = arith.constant 777600 : i32
      %mul3A_41 = arith.muli %add3A, %mul3A_40 : i32
      %mul3A_42 = arith.constant 48600 : i32
      %mul3A_43 = arith.muli %arg1, %mul3A_42 : i32
      %add3A_44 = arith.addi %mul3A_41, %mul3A_43 : i32
      %add3A_45 = arith.constant 0 : i32
      %add3A_46 = arith.addi %add3A_44, %add3A_45 : i32
      %multiple_of3A_47 = tpu.assume_multiple %add3A_46, 8 : i32
      "tpu.region"() ({
        %run_scoped3A = tpu.sem_alloc : memref<!tpu.dma_semaphore, #tpu.memory_space<semaphore_mem>>
        %dma_start3A = arith.constant 0 : i32
        %dma_start3A_114 = tpu.memref_slice %arg9[%dma_start3A] : memref<8192xf32, #tpu.memory_space<vmem>> -> memref<8192xf32, #tpu.memory_space<vmem>>
        %dma_start3A_115 = tpu.memref_slice %arg5[%multiple_of3A] : memref<786432xf32, #tpu.memory_space<vmem_shared>> -> memref<8192xf32, #tpu.memory_space<vmem_shared>>
        %dma_start3A_116 = arith.constant 0 : i32
        %dma_start3A_117 = tpu.memref_slice %arg9[%dma_start3A_116] : memref<8192xf32, #tpu.memory_space<vmem>> -> memref<8192xf32, #tpu.memory_space<vmem>>
        %dma_start3A_118 = tpu.memref_slice %arg5[%multiple_of3A] : memref<786432xf32, #tpu.memory_space<vmem_shared>> -> memref<8192xf32, #tpu.memory_space<vmem_shared>>
        tpu.enqueue_dma source(%dma_start3A_118 : memref<8192xf32, #tpu.memory_space<vmem_shared>>) target(%dma_start3A_117 : memref<8192xf32, #tpu.memory_space<vmem>>) target_semaphore(%run_scoped3A : memref<!tpu.dma_semaphore, #tpu.memory_space<semaphore_mem>>)
        %dma_wait3A = arith.constant 0 : i32
        %dma_wait3A_119 = tpu.memref_slice %arg9[%dma_wait3A] : memref<8192xf32, #tpu.memory_space<vmem>> -> memref<8192xf32, #tpu.memory_space<vmem>>
        %dma_wait3A_120 = tpu.memref_slice %arg5[%multiple_of3A] : memref<786432xf32, #tpu.memory_space<vmem_shared>> -> memref<8192xf32, #tpu.memory_space<vmem_shared>>
        %dma_wait3A_121 = arith.constant 0 : i32
        %dma_wait3A_122 = tpu.memref_slice %arg9[%dma_wait3A_121] : memref<8192xf32, #tpu.memory_space<vmem>> -> memref<8192xf32, #tpu.memory_space<vmem>>
        %dma_wait3A_123 = tpu.memref_slice %arg5[%multiple_of3A] : memref<786432xf32, #tpu.memory_space<vmem_shared>> -> memref<8192xf32, #tpu.memory_space<vmem_shared>>
        tpu.wait_dma2 semaphore(%run_scoped3A : memref<!tpu.dma_semaphore, #tpu.memory_space<semaphore_mem>>) src(%dma_wait3A_123 : memref<8192xf32, #tpu.memory_space<vmem_shared>>) dst(%dma_wait3A_122 : memref<8192xf32, #tpu.memory_space<vmem>>)
        tpu.yield
      }) : () -> ()
      "tpu.region"() ({
        %run_scoped3A = tpu.sem_alloc : memref<!tpu.dma_semaphore, #tpu.memory_space<semaphore_mem>>
        %dma_start3A = arith.constant 0 : i32
        %dma_start3A_114 = tpu.memref_slice %arg9[%dma_start3A] : memref<8192xf32, #tpu.memory_space<vmem>> -> memref<8192xf32, #tpu.memory_space<vmem>>
        %dma_start3A_115 = tpu.memref_slice %arg4[%multiple_of3A_47] : memref<12441600xf32, #tpu.memory_space<hbm>> -> memref<8192xf32, #tpu.memory_space<hbm>>
        %dma_start3A_116 = tpu.memref_slice %arg4[%multiple_of3A_47] : memref<12441600xf32, #tpu.memory_space<hbm>> -> memref<8192xf32, #tpu.memory_space<hbm>>
        %dma_start3A_117 = arith.constant 0 : i32
        %dma_start3A_118 = tpu.memref_slice %arg9[%dma_start3A_117] : memref<8192xf32, #tpu.memory_space<vmem>> -> memref<8192xf32, #tpu.memory_space<vmem>>
        tpu.enqueue_dma source(%dma_start3A_118 : memref<8192xf32, #tpu.memory_space<vmem>>) target(%dma_start3A_116 : memref<8192xf32, #tpu.memory_space<hbm>>) target_semaphore(%run_scoped3A : memref<!tpu.dma_semaphore, #tpu.memory_space<semaphore_mem>>)
        %dma_wait3A = arith.constant 0 : i32
        %dma_wait3A_119 = tpu.memref_slice %arg9[%dma_wait3A] : memref<8192xf32, #tpu.memory_space<vmem>> -> memref<8192xf32, #tpu.memory_space<vmem>>
        %dma_wait3A_120 = tpu.memref_slice %arg4[%multiple_of3A_47] : memref<12441600xf32, #tpu.memory_space<hbm>> -> memref<8192xf32, #tpu.memory_space<hbm>>
        %dma_wait3A_121 = tpu.memref_slice %arg4[%multiple_of3A_47] : memref<12441600xf32, #tpu.memory_space<hbm>> -> memref<8192xf32, #tpu.memory_space<hbm>>
        %dma_wait3A_122 = arith.constant 0 : i32
        %dma_wait3A_123 = tpu.memref_slice %arg9[%dma_wait3A_122] : memref<8192xf32, #tpu.memory_space<vmem>> -> memref<8192xf32, #tpu.memory_space<vmem>>
        tpu.wait_dma2 semaphore(%run_scoped3A : memref<!tpu.dma_semaphore, #tpu.memory_space<semaphore_mem>>) src(%dma_wait3A_123 : memref<8192xf32, #tpu.memory_space<vmem>>) dst(%dma_wait3A_121 : memref<8192xf32, #tpu.memory_space<hbm>>)
        tpu.yield
      }) : () -> ()
      %mul3A_48 = arith.constant 48600 : i32
      %mul3A_49 = arith.muli %arg1, %mul3A_48 : i32
      %add3A_50 = arith.constant 8192 : i32
      %add3A_51 = arith.addi %mul3A_49, %add3A_50 : i32
      %multiple_of3A_52 = tpu.assume_multiple %add3A_51, 8 : i32
      %mul3A_53 = arith.constant 777600 : i32
      %mul3A_54 = arith.muli %add3A, %mul3A_53 : i32
      %mul3A_55 = arith.constant 48600 : i32
      %mul3A_56 = arith.muli %arg1, %mul3A_55 : i32
      %add3A_57 = arith.addi %mul3A_54, %mul3A_56 : i32
      %add3A_58 = arith.constant 8192 : i32
      %add3A_59 = arith.addi %add3A_57, %add3A_58 : i32
      %multiple_of3A_60 = tpu.assume_multiple %add3A_59, 8 : i32
      "tpu.region"() ({
        %run_scoped3A = tpu.sem_alloc : memref<!tpu.dma_semaphore, #tpu.memory_space<semaphore_mem>>
        %dma_start3A = arith.constant 0 : i32
        %dma_start3A_114 = tpu.memref_slice %arg9[%dma_start3A] : memref<8192xf32, #tpu.memory_space<vmem>> -> memref<8192xf32, #tpu.memory_space<vmem>>
        %dma_start3A_115 = tpu.memref_slice %arg5[%multiple_of3A_52] : memref<786432xf32, #tpu.memory_space<vmem_shared>> -> memref<8192xf32, #tpu.memory_space<vmem_shared>>
        %dma_start3A_116 = arith.constant 0 : i32
        %dma_start3A_117 = tpu.memref_slice %arg9[%dma_start3A_116] : memref<8192xf32, #tpu.memory_space<vmem>> -> memref<8192xf32, #tpu.memory_space<vmem>>
        %dma_start3A_118 = tpu.memref_slice %arg5[%multiple_of3A_52] : memref<786432xf32, #tpu.memory_space<vmem_shared>> -> memref<8192xf32, #tpu.memory_space<vmem_shared>>
        tpu.enqueue_dma source(%dma_start3A_118 : memref<8192xf32, #tpu.memory_space<vmem_shared>>) target(%dma_start3A_117 : memref<8192xf32, #tpu.memory_space<vmem>>) target_semaphore(%run_scoped3A : memref<!tpu.dma_semaphore, #tpu.memory_space<semaphore_mem>>)
        %dma_wait3A = arith.constant 0 : i32
        %dma_wait3A_119 = tpu.memref_slice %arg9[%dma_wait3A] : memref<8192xf32, #tpu.memory_space<vmem>> -> memref<8192xf32, #tpu.memory_space<vmem>>
        %dma_wait3A_120 = tpu.memref_slice %arg5[%multiple_of3A_52] : memref<786432xf32, #tpu.memory_space<vmem_shared>> -> memref<8192xf32, #tpu.memory_space<vmem_shared>>
        %dma_wait3A_121 = arith.constant 0 : i32
        %dma_wait3A_122 = tpu.memref_slice %arg9[%dma_wait3A_121] : memref<8192xf32, #tpu.memory_space<vmem>> -> memref<8192xf32, #tpu.memory_space<vmem>>
        %dma_wait3A_123 = tpu.memref_slice %arg5[%multiple_of3A_52] : memref<786432xf32, #tpu.memory_space<vmem_shared>> -> memref<8192xf32, #tpu.memory_space<vmem_shared>>
        tpu.wait_dma2 semaphore(%run_scoped3A : memref<!tpu.dma_semaphore, #tpu.memory_space<semaphore_mem>>) src(%dma_wait3A_123 : memref<8192xf32, #tpu.memory_space<vmem_shared>>) dst(%dma_wait3A_122 : memref<8192xf32, #tpu.memory_space<vmem>>)
        tpu.yield
      }) : () -> ()
      "tpu.region"() ({
        %run_scoped3A = tpu.sem_alloc : memref<!tpu.dma_semaphore, #tpu.memory_space<semaphore_mem>>
        %dma_start3A = arith.constant 0 : i32
        %dma_start3A_114 = tpu.memref_slice %arg9[%dma_start3A] : memref<8192xf32, #tpu.memory_space<vmem>> -> memref<8192xf32, #tpu.memory_space<vmem>>
        %dma_start3A_115 = tpu.memref_slice %arg4[%multiple_of3A_60] : memref<12441600xf32, #tpu.memory_space<hbm>> -> memref<8192xf32, #tpu.memory_space<hbm>>
        %dma_start3A_116 = tpu.memref_slice %arg4[%multiple_of3A_60] : memref<12441600xf32, #tpu.memory_space<hbm>> -> memref<8192xf32, #tpu.memory_space<hbm>>
        %dma_start3A_117 = arith.constant 0 : i32
        %dma_start3A_118 = tpu.memref_slice %arg9[%dma_start3A_117] : memref<8192xf32, #tpu.memory_space<vmem>> -> memref<8192xf32, #tpu.memory_space<vmem>>
        tpu.enqueue_dma source(%dma_start3A_118 : memref<8192xf32, #tpu.memory_space<vmem>>) target(%dma_start3A_116 : memref<8192xf32, #tpu.memory_space<hbm>>) target_semaphore(%run_scoped3A : memref<!tpu.dma_semaphore, #tpu.memory_space<semaphore_mem>>)
        %dma_wait3A = arith.constant 0 : i32
        %dma_wait3A_119 = tpu.memref_slice %arg9[%dma_wait3A] : memref<8192xf32, #tpu.memory_space<vmem>> -> memref<8192xf32, #tpu.memory_space<vmem>>
        %dma_wait3A_120 = tpu.memref_slice %arg4[%multiple_of3A_60] : memref<12441600xf32, #tpu.memory_space<hbm>> -> memref<8192xf32, #tpu.memory_space<hbm>>
        %dma_wait3A_121 = tpu.memref_slice %arg4[%multiple_of3A_60] : memref<12441600xf32, #tpu.memory_space<hbm>> -> memref<8192xf32, #tpu.memory_space<hbm>>
        %dma_wait3A_122 = arith.constant 0 : i32
        %dma_wait3A_123 = tpu.memref_slice %arg9[%dma_wait3A_122] : memref<8192xf32, #tpu.memory_space<vmem>> -> memref<8192xf32, #tpu.memory_space<vmem>>
        tpu.wait_dma2 semaphore(%run_scoped3A : memref<!tpu.dma_semaphore, #tpu.memory_space<semaphore_mem>>) src(%dma_wait3A_123 : memref<8192xf32, #tpu.memory_space<vmem>>) dst(%dma_wait3A_121 : memref<8192xf32, #tpu.memory_space<hbm>>)
        tpu.yield
      }) : () -> ()
      %mul3A_61 = arith.constant 48600 : i32
      %mul3A_62 = arith.muli %arg1, %mul3A_61 : i32
      %add3A_63 = arith.constant 16384 : i32
      %add3A_64 = arith.addi %mul3A_62, %add3A_63 : i32
      %multiple_of3A_65 = tpu.assume_multiple %add3A_64, 8 : i32
      %mul3A_66 = arith.constant 777600 : i32
      %mul3A_67 = arith.muli %add3A, %mul3A_66 : i32
      %mul3A_68 = arith.constant 48600 : i32
      %mul3A_69 = arith.muli %arg1, %mul3A_68 : i32
      %add3A_70 = arith.addi %mul3A_67, %mul3A_69 : i32
      %add3A_71 = arith.constant 16384 : i32
      %add3A_72 = arith.addi %add3A_70, %add3A_71 : i32
      %multiple_of3A_73 = tpu.assume_multiple %add3A_72, 8 : i32
      "tpu.region"() ({
        %run_scoped3A = tpu.sem_alloc : memref<!tpu.dma_semaphore, #tpu.memory_space<semaphore_mem>>
        %dma_start3A = arith.constant 0 : i32
        %dma_start3A_114 = tpu.memref_slice %arg9[%dma_start3A] : memref<8192xf32, #tpu.memory_space<vmem>> -> memref<8192xf32, #tpu.memory_space<vmem>>
        %dma_start3A_115 = tpu.memref_slice %arg5[%multiple_of3A_65] : memref<786432xf32, #tpu.memory_space<vmem_shared>> -> memref<8192xf32, #tpu.memory_space<vmem_shared>>
        %dma_start3A_116 = arith.constant 0 : i32
        %dma_start3A_117 = tpu.memref_slice %arg9[%dma_start3A_116] : memref<8192xf32, #tpu.memory_space<vmem>> -> memref<8192xf32, #tpu.memory_space<vmem>>
        %dma_start3A_118 = tpu.memref_slice %arg5[%multiple_of3A_65] : memref<786432xf32, #tpu.memory_space<vmem_shared>> -> memref<8192xf32, #tpu.memory_space<vmem_shared>>
        tpu.enqueue_dma source(%dma_start3A_118 : memref<8192xf32, #tpu.memory_space<vmem_shared>>) target(%dma_start3A_117 : memref<8192xf32, #tpu.memory_space<vmem>>) target_semaphore(%run_scoped3A : memref<!tpu.dma_semaphore, #tpu.memory_space<semaphore_mem>>)
        %dma_wait3A = arith.constant 0 : i32
        %dma_wait3A_119 = tpu.memref_slice %arg9[%dma_wait3A] : memref<8192xf32, #tpu.memory_space<vmem>> -> memref<8192xf32, #tpu.memory_space<vmem>>
        %dma_wait3A_120 = tpu.memref_slice %arg5[%multiple_of3A_65] : memref<786432xf32, #tpu.memory_space<vmem_shared>> -> memref<8192xf32, #tpu.memory_space<vmem_shared>>
        %dma_wait3A_121 = arith.constant 0 : i32
        %dma_wait3A_122 = tpu.memref_slice %arg9[%dma_wait3A_121] : memref<8192xf32, #tpu.memory_space<vmem>> -> memref<8192xf32, #tpu.memory_space<vmem>>
        %dma_wait3A_123 = tpu.memref_slice %arg5[%multiple_of3A_65] : memref<786432xf32, #tpu.memory_space<vmem_shared>> -> memref<8192xf32, #tpu.memory_space<vmem_shared>>
        tpu.wait_dma2 semaphore(%run_scoped3A : memref<!tpu.dma_semaphore, #tpu.memory_space<semaphore_mem>>) src(%dma_wait3A_123 : memref<8192xf32, #tpu.memory_space<vmem_shared>>) dst(%dma_wait3A_122 : memref<8192xf32, #tpu.memory_space<vmem>>)
        tpu.yield
      }) : () -> ()
      "tpu.region"() ({
        %run_scoped3A = tpu.sem_alloc : memref<!tpu.dma_semaphore, #tpu.memory_space<semaphore_mem>>
        %dma_start3A = arith.constant 0 : i32
        %dma_start3A_114 = tpu.memref_slice %arg9[%dma_start3A] : memref<8192xf32, #tpu.memory_space<vmem>> -> memref<8192xf32, #tpu.memory_space<vmem>>
        %dma_start3A_115 = tpu.memref_slice %arg4[%multiple_of3A_73] : memref<12441600xf32, #tpu.memory_space<hbm>> -> memref<8192xf32, #tpu.memory_space<hbm>>
        %dma_start3A_116 = tpu.memref_slice %arg4[%multiple_of3A_73] : memref<12441600xf32, #tpu.memory_space<hbm>> -> memref<8192xf32, #tpu.memory_space<hbm>>
        %dma_start3A_117 = arith.constant 0 : i32
        %dma_start3A_118 = tpu.memref_slice %arg9[%dma_start3A_117] : memref<8192xf32, #tpu.memory_space<vmem>> -> memref<8192xf32, #tpu.memory_space<vmem>>
        tpu.enqueue_dma source(%dma_start3A_118 : memref<8192xf32, #tpu.memory_space<vmem>>) target(%dma_start3A_116 : memref<8192xf32, #tpu.memory_space<hbm>>) target_semaphore(%run_scoped3A : memref<!tpu.dma_semaphore, #tpu.memory_space<semaphore_mem>>)
        %dma_wait3A = arith.constant 0 : i32
        %dma_wait3A_119 = tpu.memref_slice %arg9[%dma_wait3A] : memref<8192xf32, #tpu.memory_space<vmem>> -> memref<8192xf32, #tpu.memory_space<vmem>>
        %dma_wait3A_120 = tpu.memref_slice %arg4[%multiple_of3A_73] : memref<12441600xf32, #tpu.memory_space<hbm>> -> memref<8192xf32, #tpu.memory_space<hbm>>
        %dma_wait3A_121 = tpu.memref_slice %arg4[%multiple_of3A_73] : memref<12441600xf32, #tpu.memory_space<hbm>> -> memref<8192xf32, #tpu.memory_space<hbm>>
        %dma_wait3A_122 = arith.constant 0 : i32
        %dma_wait3A_123 = tpu.memref_slice %arg9[%dma_wait3A_122] : memref<8192xf32, #tpu.memory_space<vmem>> -> memref<8192xf32, #tpu.memory_space<vmem>>
        tpu.wait_dma2 semaphore(%run_scoped3A : memref<!tpu.dma_semaphore, #tpu.memory_space<semaphore_mem>>) src(%dma_wait3A_123 : memref<8192xf32, #tpu.memory_space<vmem>>) dst(%dma_wait3A_121 : memref<8192xf32, #tpu.memory_space<hbm>>)
        tpu.yield
      }) : () -> ()
      %mul3A_74 = arith.constant 48600 : i32
      %mul3A_75 = arith.muli %arg1, %mul3A_74 : i32
      %add3A_76 = arith.constant 24576 : i32
      %add3A_77 = arith.addi %mul3A_75, %add3A_76 : i32
      %multiple_of3A_78 = tpu.assume_multiple %add3A_77, 8 : i32
      %mul3A_79 = arith.constant 777600 : i32
      %mul3A_80 = arith.muli %add3A, %mul3A_79 : i32
      %mul3A_81 = arith.constant 48600 : i32
      %mul3A_82 = arith.muli %arg1, %mul3A_81 : i32
      %add3A_83 = arith.addi %mul3A_80, %mul3A_82 : i32
      %add3A_84 = arith.constant 24576 : i32
      %add3A_85 = arith.addi %add3A_83, %add3A_84 : i32
      %multiple_of3A_86 = tpu.assume_multiple %add3A_85, 8 : i32
      "tpu.region"() ({
        %run_scoped3A = tpu.sem_alloc : memref<!tpu.dma_semaphore, #tpu.memory_space<semaphore_mem>>
        %dma_start3A = arith.constant 0 : i32
        %dma_start3A_114 = tpu.memref_slice %arg9[%dma_start3A] : memref<8192xf32, #tpu.memory_space<vmem>> -> memref<8192xf32, #tpu.memory_space<vmem>>
        %dma_start3A_115 = tpu.memref_slice %arg5[%multiple_of3A_78] : memref<786432xf32, #tpu.memory_space<vmem_shared>> -> memref<8192xf32, #tpu.memory_space<vmem_shared>>
        %dma_start3A_116 = arith.constant 0 : i32
        %dma_start3A_117 = tpu.memref_slice %arg9[%dma_start3A_116] : memref<8192xf32, #tpu.memory_space<vmem>> -> memref<8192xf32, #tpu.memory_space<vmem>>
        %dma_start3A_118 = tpu.memref_slice %arg5[%multiple_of3A_78] : memref<786432xf32, #tpu.memory_space<vmem_shared>> -> memref<8192xf32, #tpu.memory_space<vmem_shared>>
        tpu.enqueue_dma source(%dma_start3A_118 : memref<8192xf32, #tpu.memory_space<vmem_shared>>) target(%dma_start3A_117 : memref<8192xf32, #tpu.memory_space<vmem>>) target_semaphore(%run_scoped3A : memref<!tpu.dma_semaphore, #tpu.memory_space<semaphore_mem>>)
        %dma_wait3A = arith.constant 0 : i32
        %dma_wait3A_119 = tpu.memref_slice %arg9[%dma_wait3A] : memref<8192xf32, #tpu.memory_space<vmem>> -> memref<8192xf32, #tpu.memory_space<vmem>>
        %dma_wait3A_120 = tpu.memref_slice %arg5[%multiple_of3A_78] : memref<786432xf32, #tpu.memory_space<vmem_shared>> -> memref<8192xf32, #tpu.memory_space<vmem_shared>>
        %dma_wait3A_121 = arith.constant 0 : i32
        %dma_wait3A_122 = tpu.memref_slice %arg9[%dma_wait3A_121] : memref<8192xf32, #tpu.memory_space<vmem>> -> memref<8192xf32, #tpu.memory_space<vmem>>
        %dma_wait3A_123 = tpu.memref_slice %arg5[%multiple_of3A_78] : memref<786432xf32, #tpu.memory_space<vmem_shared>> -> memref<8192xf32, #tpu.memory_space<vmem_shared>>
        tpu.wait_dma2 semaphore(%run_scoped3A : memref<!tpu.dma_semaphore, #tpu.memory_space<semaphore_mem>>) src(%dma_wait3A_123 : memref<8192xf32, #tpu.memory_space<vmem_shared>>) dst(%dma_wait3A_122 : memref<8192xf32, #tpu.memory_space<vmem>>)
        tpu.yield
      }) : () -> ()
      "tpu.region"() ({
        %run_scoped3A = tpu.sem_alloc : memref<!tpu.dma_semaphore, #tpu.memory_space<semaphore_mem>>
        %dma_start3A = arith.constant 0 : i32
        %dma_start3A_114 = tpu.memref_slice %arg9[%dma_start3A] : memref<8192xf32, #tpu.memory_space<vmem>> -> memref<8192xf32, #tpu.memory_space<vmem>>
        %dma_start3A_115 = tpu.memref_slice %arg4[%multiple_of3A_86] : memref<12441600xf32, #tpu.memory_space<hbm>> -> memref<8192xf32, #tpu.memory_space<hbm>>
        %dma_start3A_116 = tpu.memref_slice %arg4[%multiple_of3A_86] : memref<12441600xf32, #tpu.memory_space<hbm>> -> memref<8192xf32, #tpu.memory_space<hbm>>
        %dma_start3A_117 = arith.constant 0 : i32
        %dma_start3A_118 = tpu.memref_slice %arg9[%dma_start3A_117] : memref<8192xf32, #tpu.memory_space<vmem>> -> memref<8192xf32, #tpu.memory_space<vmem>>
        tpu.enqueue_dma source(%dma_start3A_118 : memref<8192xf32, #tpu.memory_space<vmem>>) target(%dma_start3A_116 : memref<8192xf32, #tpu.memory_space<hbm>>) target_semaphore(%run_scoped3A : memref<!tpu.dma_semaphore, #tpu.memory_space<semaphore_mem>>)
        %dma_wait3A = arith.constant 0 : i32
        %dma_wait3A_119 = tpu.memref_slice %arg9[%dma_wait3A] : memref<8192xf32, #tpu.memory_space<vmem>> -> memref<8192xf32, #tpu.memory_space<vmem>>
        %dma_wait3A_120 = tpu.memref_slice %arg4[%multiple_of3A_86] : memref<12441600xf32, #tpu.memory_space<hbm>> -> memref<8192xf32, #tpu.memory_space<hbm>>
        %dma_wait3A_121 = tpu.memref_slice %arg4[%multiple_of3A_86] : memref<12441600xf32, #tpu.memory_space<hbm>> -> memref<8192xf32, #tpu.memory_space<hbm>>
        %dma_wait3A_122 = arith.constant 0 : i32
        %dma_wait3A_123 = tpu.memref_slice %arg9[%dma_wait3A_122] : memref<8192xf32, #tpu.memory_space<vmem>> -> memref<8192xf32, #tpu.memory_space<vmem>>
        tpu.wait_dma2 semaphore(%run_scoped3A : memref<!tpu.dma_semaphore, #tpu.memory_space<semaphore_mem>>) src(%dma_wait3A_123 : memref<8192xf32, #tpu.memory_space<vmem>>) dst(%dma_wait3A_121 : memref<8192xf32, #tpu.memory_space<hbm>>)
        tpu.yield
      }) : () -> ()
      %mul3A_87 = arith.constant 48600 : i32
      %mul3A_88 = arith.muli %arg1, %mul3A_87 : i32
      %add3A_89 = arith.constant 32768 : i32
      %add3A_90 = arith.addi %mul3A_88, %add3A_89 : i32
      %multiple_of3A_91 = tpu.assume_multiple %add3A_90, 8 : i32
      %mul3A_92 = arith.constant 777600 : i32
      %mul3A_93 = arith.muli %add3A, %mul3A_92 : i32
      %mul3A_94 = arith.constant 48600 : i32
      %mul3A_95 = arith.muli %arg1, %mul3A_94 : i32
      %add3A_96 = arith.addi %mul3A_93, %mul3A_95 : i32
      %add3A_97 = arith.constant 32768 : i32
      %add3A_98 = arith.addi %add3A_96, %add3A_97 : i32
      %multiple_of3A_99 = tpu.assume_multiple %add3A_98, 8 : i32
      "tpu.region"() ({
        %run_scoped3A = tpu.sem_alloc : memref<!tpu.dma_semaphore, #tpu.memory_space<semaphore_mem>>
        %dma_start3A = arith.constant 0 : i32
        %dma_start3A_114 = tpu.memref_slice %arg9[%dma_start3A] : memref<8192xf32, #tpu.memory_space<vmem>> -> memref<8192xf32, #tpu.memory_space<vmem>>
        %dma_start3A_115 = tpu.memref_slice %arg5[%multiple_of3A_91] : memref<786432xf32, #tpu.memory_space<vmem_shared>> -> memref<8192xf32, #tpu.memory_space<vmem_shared>>
        %dma_start3A_116 = arith.constant 0 : i32
        %dma_start3A_117 = tpu.memref_slice %arg9[%dma_start3A_116] : memref<8192xf32, #tpu.memory_space<vmem>> -> memref<8192xf32, #tpu.memory_space<vmem>>
        %dma_start3A_118 = tpu.memref_slice %arg5[%multiple_of3A_91] : memref<786432xf32, #tpu.memory_space<vmem_shared>> -> memref<8192xf32, #tpu.memory_space<vmem_shared>>
        tpu.enqueue_dma source(%dma_start3A_118 : memref<8192xf32, #tpu.memory_space<vmem_shared>>) target(%dma_start3A_117 : memref<8192xf32, #tpu.memory_space<vmem>>) target_semaphore(%run_scoped3A : memref<!tpu.dma_semaphore, #tpu.memory_space<semaphore_mem>>)
        %dma_wait3A = arith.constant 0 : i32
        %dma_wait3A_119 = tpu.memref_slice %arg9[%dma_wait3A] : memref<8192xf32, #tpu.memory_space<vmem>> -> memref<8192xf32, #tpu.memory_space<vmem>>
        %dma_wait3A_120 = tpu.memref_slice %arg5[%multiple_of3A_91] : memref<786432xf32, #tpu.memory_space<vmem_shared>> -> memref<8192xf32, #tpu.memory_space<vmem_shared>>
        %dma_wait3A_121 = arith.constant 0 : i32
        %dma_wait3A_122 = tpu.memref_slice %arg9[%dma_wait3A_121] : memref<8192xf32, #tpu.memory_space<vmem>> -> memref<8192xf32, #tpu.memory_space<vmem>>
        %dma_wait3A_123 = tpu.memref_slice %arg5[%multiple_of3A_91] : memref<786432xf32, #tpu.memory_space<vmem_shared>> -> memref<8192xf32, #tpu.memory_space<vmem_shared>>
        tpu.wait_dma2 semaphore(%run_scoped3A : memref<!tpu.dma_semaphore, #tpu.memory_space<semaphore_mem>>) src(%dma_wait3A_123 : memref<8192xf32, #tpu.memory_space<vmem_shared>>) dst(%dma_wait3A_122 : memref<8192xf32, #tpu.memory_space<vmem>>)
        tpu.yield
      }) : () -> ()
      "tpu.region"() ({
        %run_scoped3A = tpu.sem_alloc : memref<!tpu.dma_semaphore, #tpu.memory_space<semaphore_mem>>
        %dma_start3A = arith.constant 0 : i32
        %dma_start3A_114 = tpu.memref_slice %arg9[%dma_start3A] : memref<8192xf32, #tpu.memory_space<vmem>> -> memref<8192xf32, #tpu.memory_space<vmem>>
        %dma_start3A_115 = tpu.memref_slice %arg4[%multiple_of3A_99] : memref<12441600xf32, #tpu.memory_space<hbm>> -> memref<8192xf32, #tpu.memory_space<hbm>>
        %dma_start3A_116 = tpu.memref_slice %arg4[%multiple_of3A_99] : memref<12441600xf32, #tpu.memory_space<hbm>> -> memref<8192xf32, #tpu.memory_space<hbm>>
        %dma_start3A_117 = arith.constant 0 : i32
        %dma_start3A_118 = tpu.memref_slice %arg9[%dma_start3A_117] : memref<8192xf32, #tpu.memory_space<vmem>> -> memref<8192xf32, #tpu.memory_space<vmem>>
        tpu.enqueue_dma source(%dma_start3A_118 : memref<8192xf32, #tpu.memory_space<vmem>>) target(%dma_start3A_116 : memref<8192xf32, #tpu.memory_space<hbm>>) target_semaphore(%run_scoped3A : memref<!tpu.dma_semaphore, #tpu.memory_space<semaphore_mem>>)
        %dma_wait3A = arith.constant 0 : i32
        %dma_wait3A_119 = tpu.memref_slice %arg9[%dma_wait3A] : memref<8192xf32, #tpu.memory_space<vmem>> -> memref<8192xf32, #tpu.memory_space<vmem>>
        %dma_wait3A_120 = tpu.memref_slice %arg4[%multiple_of3A_99] : memref<12441600xf32, #tpu.memory_space<hbm>> -> memref<8192xf32, #tpu.memory_space<hbm>>
        %dma_wait3A_121 = tpu.memref_slice %arg4[%multiple_of3A_99] : memref<12441600xf32, #tpu.memory_space<hbm>> -> memref<8192xf32, #tpu.memory_space<hbm>>
        %dma_wait3A_122 = arith.constant 0 : i32
        %dma_wait3A_123 = tpu.memref_slice %arg9[%dma_wait3A_122] : memref<8192xf32, #tpu.memory_space<vmem>> -> memref<8192xf32, #tpu.memory_space<vmem>>
        tpu.wait_dma2 semaphore(%run_scoped3A : memref<!tpu.dma_semaphore, #tpu.memory_space<semaphore_mem>>) src(%dma_wait3A_123 : memref<8192xf32, #tpu.memory_space<vmem>>) dst(%dma_wait3A_121 : memref<8192xf32, #tpu.memory_space<hbm>>)
        tpu.yield
      }) : () -> ()
      %mul3A_100 = arith.constant 48600 : i32
      %mul3A_101 = arith.muli %arg1, %mul3A_100 : i32
      %add3A_102 = arith.constant 40960 : i32
      %add3A_103 = arith.addi %mul3A_101, %add3A_102 : i32
      %multiple_of3A_104 = tpu.assume_multiple %add3A_103, 8 : i32
      %mul3A_105 = arith.constant 777600 : i32
      %mul3A_106 = arith.muli %add3A, %mul3A_105 : i32
      %mul3A_107 = arith.constant 48600 : i32
      %mul3A_108 = arith.muli %arg1, %mul3A_107 : i32
      %add3A_109 = arith.addi %mul3A_106, %mul3A_108 : i32
      %add3A_110 = arith.constant 40960 : i32
      %add3A_111 = arith.addi %add3A_109, %add3A_110 : i32
      %multiple_of3A_112 = tpu.assume_multiple %add3A_111, 8 : i32
      "tpu.region"() ({
        %run_scoped3A = tpu.sem_alloc : memref<!tpu.dma_semaphore, #tpu.memory_space<semaphore_mem>>
        %dma_start3A = arith.constant 0 : i32
        %dma_start3A_114 = tpu.memref_slice %arg9[%dma_start3A] : memref<8192xf32, #tpu.memory_space<vmem>> -> memref<7640xf32, #tpu.memory_space<vmem>>
        %dma_start3A_115 = tpu.memref_slice %arg5[%multiple_of3A_104] : memref<786432xf32, #tpu.memory_space<vmem_shared>> -> memref<7640xf32, #tpu.memory_space<vmem_shared>>
        %dma_start3A_116 = arith.constant 0 : i32
        %dma_start3A_117 = tpu.memref_slice %arg9[%dma_start3A_116] : memref<8192xf32, #tpu.memory_space<vmem>> -> memref<7640xf32, #tpu.memory_space<vmem>>
        %dma_start3A_118 = tpu.memref_slice %arg5[%multiple_of3A_104] : memref<786432xf32, #tpu.memory_space<vmem_shared>> -> memref<7640xf32, #tpu.memory_space<vmem_shared>>
        tpu.enqueue_dma source(%dma_start3A_118 : memref<7640xf32, #tpu.memory_space<vmem_shared>>) target(%dma_start3A_117 : memref<7640xf32, #tpu.memory_space<vmem>>) target_semaphore(%run_scoped3A : memref<!tpu.dma_semaphore, #tpu.memory_space<semaphore_mem>>)
        %dma_wait3A = arith.constant 0 : i32
        %dma_wait3A_119 = tpu.memref_slice %arg9[%dma_wait3A] : memref<8192xf32, #tpu.memory_space<vmem>> -> memref<7640xf32, #tpu.memory_space<vmem>>
        %dma_wait3A_120 = tpu.memref_slice %arg5[%multiple_of3A_104] : memref<786432xf32, #tpu.memory_space<vmem_shared>> -> memref<7640xf32, #tpu.memory_space<vmem_shared>>
        %dma_wait3A_121 = arith.constant 0 : i32
        %dma_wait3A_122 = tpu.memref_slice %arg9[%dma_wait3A_121] : memref<8192xf32, #tpu.memory_space<vmem>> -> memref<7640xf32, #tpu.memory_space<vmem>>
        %dma_wait3A_123 = tpu.memref_slice %arg5[%multiple_of3A_104] : memref<786432xf32, #tpu.memory_space<vmem_shared>> -> memref<7640xf32, #tpu.memory_space<vmem_shared>>
        tpu.wait_dma2 semaphore(%run_scoped3A : memref<!tpu.dma_semaphore, #tpu.memory_space<semaphore_mem>>) src(%dma_wait3A_123 : memref<7640xf32, #tpu.memory_space<vmem_shared>>) dst(%dma_wait3A_122 : memref<7640xf32, #tpu.memory_space<vmem>>)
        tpu.yield
      }) : () -> ()
      "tpu.region"() ({
        %run_scoped3A = tpu.sem_alloc : memref<!tpu.dma_semaphore, #tpu.memory_space<semaphore_mem>>
        %dma_start3A = arith.constant 0 : i32
        %dma_start3A_114 = tpu.memref_slice %arg9[%dma_start3A] : memref<8192xf32, #tpu.memory_space<vmem>> -> memref<7640xf32, #tpu.memory_space<vmem>>
        %dma_start3A_115 = tpu.memref_slice %arg4[%multiple_of3A_112] : memref<12441600xf32, #tpu.memory_space<hbm>> -> memref<7640xf32, #tpu.memory_space<hbm>>
        %dma_start3A_116 = tpu.memref_slice %arg4[%multiple_of3A_112] : memref<12441600xf32, #tpu.memory_space<hbm>> -> memref<7640xf32, #tpu.memory_space<hbm>>
        %dma_start3A_117 = arith.constant 0 : i32
        %dma_start3A_118 = tpu.memref_slice %arg9[%dma_start3A_117] : memref<8192xf32, #tpu.memory_space<vmem>> -> memref<7640xf32, #tpu.memory_space<vmem>>
        tpu.enqueue_dma source(%dma_start3A_118 : memref<7640xf32, #tpu.memory_space<vmem>>) target(%dma_start3A_116 : memref<7640xf32, #tpu.memory_space<hbm>>) target_semaphore(%run_scoped3A : memref<!tpu.dma_semaphore, #tpu.memory_space<semaphore_mem>>)
        %dma_wait3A = arith.constant 0 : i32
        %dma_wait3A_119 = tpu.memref_slice %arg9[%dma_wait3A] : memref<8192xf32, #tpu.memory_space<vmem>> -> memref<7640xf32, #tpu.memory_space<vmem>>
        %dma_wait3A_120 = tpu.memref_slice %arg4[%multiple_of3A_112] : memref<12441600xf32, #tpu.memory_space<hbm>> -> memref<7640xf32, #tpu.memory_space<hbm>>
        %dma_wait3A_121 = tpu.memref_slice %arg4[%multiple_of3A_112] : memref<12441600xf32, #tpu.memory_space<hbm>> -> memref<7640xf32, #tpu.memory_space<hbm>>
        %dma_wait3A_122 = arith.constant 0 : i32
        %dma_wait3A_123 = tpu.memref_slice %arg9[%dma_wait3A_122] : memref<8192xf32, #tpu.memory_space<vmem>> -> memref<7640xf32, #tpu.memory_space<vmem>>
        tpu.wait_dma2 semaphore(%run_scoped3A : memref<!tpu.dma_semaphore, #tpu.memory_space<semaphore_mem>>) src(%dma_wait3A_123 : memref<7640xf32, #tpu.memory_space<vmem>>) dst(%dma_wait3A_121 : memref<7640xf32, #tpu.memory_space<hbm>>)
        tpu.yield
      }) : () -> ()
      %scan3A_113 = arith.constant 0 : i32
      scf.yield %scan3A_113 : i32
    }
    %scan3A_12 = arith.constant 8 : i32
    return
  }
}

module attributes {stable_mosaic.version = 14 : i64} {
  func.func @_tc_body(%arg0: i32, %arg1: i32, %arg2: memref<1x4x8192xf32, #tpu.memory_space<vmem>>, %arg3: memref<16x1xf32, #tpu.memory_space<vmem>>, %arg4: memref<16x9xf32, #tpu.memory_space<vmem>>, %arg5: memref<16x16xf32, #tpu.memory_space<vmem>>, %arg6: memref<16x1xf32, #tpu.memory_space<vmem>>, %arg7: memref<1x16xf32, #tpu.memory_space<vmem>>, %arg8: memref<1x1xf32, #tpu.memory_space<vmem>>, %arg9: memref<1x9x8192xi32, #tpu.memory_space<vmem>>, %arg10: memref<1x9x8192xf32, #tpu.memory_space<vmem>>) attributes {dimension_semantics = [#tpu.dimension_semantics<arbitrary>, #tpu.dimension_semantics<arbitrary>], iteration_bounds = array<i64: 16, 16>, scalar_prefetch = 0 : i64, scratch_operands = 0 : i64, tpu.core_type = #tpu.core_type<tc>, window_params = [{transform_indices = @transform_0, window_bounds = array<i64: 1, 4, 8192>}, {pipeline_mode = #tpu.pipeline_mode<synchronous>, transform_indices = @transform_1, window_bounds = array<i64: 16, 1>}, {pipeline_mode = #tpu.pipeline_mode<synchronous>, transform_indices = @transform_2, window_bounds = array<i64: 16, 9>}, {pipeline_mode = #tpu.pipeline_mode<synchronous>, transform_indices = @transform_3, window_bounds = array<i64: 16, 16>}, {pipeline_mode = #tpu.pipeline_mode<synchronous>, transform_indices = @transform_4, window_bounds = array<i64: 16, 1>}, {pipeline_mode = #tpu.pipeline_mode<synchronous>, transform_indices = @transform_5, window_bounds = array<i64: 1, 16>}, {pipeline_mode = #tpu.pipeline_mode<synchronous>, transform_indices = @transform_6, window_bounds = array<i64: 1, 1>}, {transform_indices = @transform_7, window_bounds = array<i64: 1, 9, 8192>}, {transform_indices = @transform_8, window_bounds = array<i64: 1, 9, 8192>}]} {
    %get3A = arith.constant 0 : index
    %get3A_0 = arith.constant 0 : index
    %get3A_1 = arith.constant 0 : index
    %get3A_2 = vector.load %arg2[%get3A, %get3A_0, %get3A_1] : memref<1x4x8192xf32, #tpu.memory_space<vmem>>, vector<1x4x8192xf32>
    %get3A_3 = vector.shape_cast %get3A_2 : vector<1x4x8192xf32> to vector<4x8192xf32>
    %slice3A = vector.extract_strided_slice %get3A_3 {offsets = [0, 0], sizes = [1, 8192], strides = [1, 1]} : vector<4x8192xf32> to vector<1x8192xf32>
    %slice3A_4 = vector.extract_strided_slice %get3A_3 {offsets = [1, 0], sizes = [1, 8192], strides = [1, 1]} : vector<4x8192xf32> to vector<1x8192xf32>
    %slice3A_5 = vector.extract_strided_slice %get3A_3 {offsets = [2, 0], sizes = [1, 8192], strides = [1, 1]} : vector<4x8192xf32> to vector<1x8192xf32>
    %slice3A_6 = vector.extract_strided_slice %get3A_3 {offsets = [3, 0], sizes = [1, 8192], strides = [1, 1]} : vector<4x8192xf32> to vector<1x8192xf32>
    %convert_element_type3A = arith.sitofp %arg0 : i32 to f32
    %add3A = arith.constant 1.000000e+00 : f32
    %add3A_7 = vector.broadcast %add3A : f32 to vector<1x8192xf32>
    %add3A_8 = arith.addf %slice3A_6, %add3A_7 : vector<1x8192xf32>
    %div3A = arith.constant 2.000000e+00 : f32
    %div3A_9 = vector.broadcast %div3A : f32 to vector<1x8192xf32>
    %div3A_10 = arith.divf %add3A_8, %div3A_9 : vector<1x8192xf32>
    %mul3A = arith.constant 2.400000e+02 : f32
    %mul3A_11 = vector.broadcast %mul3A : f32 to vector<1x8192xf32>
    %mul3A_12 = arith.mulf %mul3A_11, %slice3A_4 : vector<1x8192xf32>
    %add3A_13 = arith.addf %slice3A, %mul3A_12 : vector<1x8192xf32>
    %mul3A_14 = arith.constant 3.888000e+05 : f32
    %mul3A_15 = vector.broadcast %mul3A_14 : f32 to vector<1x8192xf32>
    %mul3A_16 = arith.mulf %mul3A_15, %div3A_10 : vector<1x8192xf32>
    %add3A_17 = arith.addf %add3A_13, %mul3A_16 : vector<1x8192xf32>
    %mul3A_18 = arith.constant 7.776000e+05 : f32
    %mul3A_19 = arith.mulf %mul3A_18, %convert_element_type3A : f32
    %add3A_20 = vector.broadcast %mul3A_19 : f32 to vector<1x8192xf32>
    %add3A_21 = arith.addf %add3A_17, %add3A_20 : vector<1x8192xf32>
    %get3A_22 = arith.constant 0 : index
    %get3A_23 = arith.constant 0 : index
    %get3A_24 = vector.load %arg3[%get3A_22, %get3A_23] : memref<16x1xf32, #tpu.memory_space<vmem>>, vector<16x1xf32>
    %get3A_25 = arith.constant 0 : index
    %get3A_26 = arith.constant 0 : index
    %get3A_27 = vector.load %arg5[%get3A_25, %get3A_26] : memref<16x16xf32, #tpu.memory_space<vmem>>, vector<16x16xf32>
    %get3A_28 = arith.constant 0 : index
    %get3A_29 = arith.constant 0 : index
    %get3A_30 = vector.load %arg6[%get3A_28, %get3A_29] : memref<16x1xf32, #tpu.memory_space<vmem>>, vector<16x1xf32>
    %get3A_31 = arith.constant 0 : index
    %get3A_32 = arith.constant 0 : index
    %get3A_33 = vector.load %arg7[%get3A_31, %get3A_32] : memref<1x16xf32, #tpu.memory_space<vmem>>, vector<1x16xf32>
    %get3A_34 = arith.constant 0 : index
    %get3A_35 = arith.constant 0 : index
    %get3A_36 = vector.load %arg8[%get3A_34, %get3A_35] : memref<1x1xf32, #tpu.memory_space<vmem>>, vector<1x1xf32>
    %mul3A_37 = vector.broadcast %get3A_24 : vector<16x1xf32> to vector<16x8192xf32>
    %mul3A_38 = vector.broadcast %slice3A_5 : vector<1x8192xf32> to vector<16x8192xf32>
    %mul3A_39 = arith.mulf %mul3A_37, %mul3A_38 : vector<16x8192xf32>
    %get3A_40 = arith.constant 0 : index
    %get3A_41 = arith.constant 0 : index
    %get3A_42 = vector.load %arg4[%get3A_40, %get3A_41] : memref<16x9xf32, #tpu.memory_space<vmem>>, vector<16x1xf32>
    %add3A_43 = vector.broadcast %get3A_42 : vector<16x1xf32> to vector<16x8192xf32>
    %add3A_44 = arith.addf %mul3A_39, %add3A_43 : vector<16x8192xf32>
    %mul3A_45 = arith.constant 1.000000e-01 : f32
    %mul3A_46 = vector.broadcast %mul3A_45 : f32 to vector<16x8192xf32>
    %mul3A_47 = arith.mulf %mul3A_46, %add3A_44 : vector<16x8192xf32>
    %max3A = arith.maximumf %add3A_44, %mul3A_47 : vector<16x8192xf32>
    %dot_general3A = arith.constant dense<0.000000e+00> : vector<16x8192xf32>
    %dot_general3A_48 = tpu.matmul %get3A_27, %max3A, %dot_general3A {dimension_numbers = #tpu.dot_dimension_numbers<[1], [0], [0], [1], [0, 0, 1, 1], [], []>, transpose_lhs_hint = false} : vector<16x16xf32>, vector<16x8192xf32>, vector<16x8192xf32> -> vector<16x8192xf32>
    %add3A_49 = vector.broadcast %get3A_30 : vector<16x1xf32> to vector<16x8192xf32>
    %add3A_50 = arith.addf %dot_general3A_48, %add3A_49 : vector<16x8192xf32>
    %mul3A_51 = arith.constant 1.000000e-01 : f32
    %mul3A_52 = vector.broadcast %mul3A_51 : f32 to vector<16x8192xf32>
    %mul3A_53 = arith.mulf %mul3A_52, %add3A_50 : vector<16x8192xf32>
    %max3A_54 = arith.maximumf %add3A_50, %mul3A_53 : vector<16x8192xf32>
    %dot_general3A_55 = arith.constant dense<0.000000e+00> : vector<1x8192xf32>
    %dot_general3A_56 = tpu.matmul %get3A_33, %max3A_54, %dot_general3A_55 {dimension_numbers = #tpu.dot_dimension_numbers<[1], [0], [0], [1], [0, 0, 1, 1], [], []>, transpose_lhs_hint = false} : vector<1x16xf32>, vector<16x8192xf32>, vector<1x8192xf32> -> vector<1x8192xf32>
    %add3A_57 = vector.broadcast %get3A_36 : vector<1x1xf32> to vector<1x8192xf32>
    %add3A_58 = arith.addf %dot_general3A_56, %add3A_57 : vector<1x8192xf32>
    %mul3A_59 = arith.mulf %slice3A_5, %add3A_58 : vector<1x8192xf32>
    %add3A_60 = arith.constant 0.000000e+00 : f32
    %add3A_61 = vector.broadcast %add3A_60 : f32 to vector<1x8192xf32>
    %add3A_62 = arith.addf %add3A_21, %add3A_61 : vector<1x8192xf32>
    %jit3A = arith.constant 0.000000e+00 : f32
    %jit3A_63 = arith.constant 0x4B3DD7FF : f32
    %max3A_64 = vector.broadcast %jit3A : f32 to vector<1x8192xf32>
    %max3A_65 = arith.maximumf %max3A_64, %add3A_62 : vector<1x8192xf32>
    %min3A = vector.broadcast %jit3A_63 : f32 to vector<1x8192xf32>
    %min3A_66 = arith.minimumf %min3A, %max3A_65 : vector<1x8192xf32>
    %convert_element_type3A_67 = arith.fptosi %min3A_66 : vector<1x8192xf32> to vector<1x8192xi32>
    %mul3A_68 = arith.constant 777600 : i32
    %mul3A_69 = arith.muli %arg0, %mul3A_68 : i32
    %sub3A = vector.broadcast %mul3A_69 : i32 to vector<1x8192xi32>
    %sub3A_70 = arith.subi %convert_element_type3A_67, %sub3A : vector<1x8192xi32>
    %jit3A_71 = arith.constant 0 : i32
    %jit3A_72 = arith.constant 777599 : i32
    %max3A_73 = vector.broadcast %jit3A_71 : i32 to vector<1x8192xi32>
    %max3A_74 = arith.maxsi %max3A_73, %sub3A_70 : vector<1x8192xi32>
    %min3A_75 = vector.broadcast %jit3A_72 : i32 to vector<1x8192xi32>
    %min3A_76 = arith.minsi %min3A_75, %max3A_74 : vector<1x8192xi32>
    %squeeze3A = vector.shape_cast %min3A_76 : vector<1x8192xi32> to vector<8192xi32>
    %swap3A = arith.constant 0 : index
    %swap3A_77 = arith.constant 0 : index
    %swap3A_78 = arith.constant 0 : index
    %swap3A_79 = vector.load %arg9[%swap3A, %swap3A_77, %swap3A_78] : memref<1x9x8192xi32, #tpu.memory_space<vmem>>, vector<1x1x8192xi32>
    %swap3A_80 = vector.shape_cast %swap3A_79 : vector<1x1x8192xi32> to vector<8192xi32>
    %swap3A_81 = vector.shape_cast %squeeze3A : vector<8192xi32> to vector<1x1x8192xi32>
    tpu.vector_store %arg9[%swap3A, %swap3A_77, %swap3A_78], %swap3A_81 {strides = array<i32>} : memref<1x9x8192xi32, #tpu.memory_space<vmem>>, vector<1x1x8192xi32>,
    %squeeze3A_82 = vector.shape_cast %mul3A_59 : vector<1x8192xf32> to vector<8192xf32>
    %swap3A_83 = arith.constant 0 : index
    %swap3A_84 = arith.constant 0 : index
    %swap3A_85 = arith.constant 0 : index
    %swap3A_86 = vector.load %arg10[%swap3A_83, %swap3A_84, %swap3A_85] : memref<1x9x8192xf32, #tpu.memory_space<vmem>>, vector<1x1x8192xf32>
    %swap3A_87 = vector.shape_cast %swap3A_86 : vector<1x1x8192xf32> to vector<8192xf32>
    %swap3A_88 = vector.shape_cast %squeeze3A_82 : vector<8192xf32> to vector<1x1x8192xf32>
    tpu.vector_store %arg10[%swap3A_83, %swap3A_84, %swap3A_85], %swap3A_88 {strides = array<i32>} : memref<1x9x8192xf32, #tpu.memory_space<vmem>>, vector<1x1x8192xf32>,
    %get3A_89 = arith.constant 0 : index
    %get3A_90 = arith.constant 1 : index
    %get3A_91 = vector.load %arg4[%get3A_89, %get3A_90] : memref<16x9xf32, #tpu.memory_space<vmem>>, vector<16x1xf32>
    %add3A_92 = vector.broadcast %get3A_91 : vector<16x1xf32> to vector<16x8192xf32>
    %add3A_93 = arith.addf %mul3A_39, %add3A_92 : vector<16x8192xf32>
    %mul3A_94 = arith.constant 1.000000e-01 : f32
    %mul3A_95 = vector.broadcast %mul3A_94 : f32 to vector<16x8192xf32>
    %mul3A_96 = arith.mulf %mul3A_95, %add3A_93 : vector<16x8192xf32>
    %max3A_97 = arith.maximumf %add3A_93, %mul3A_96 : vector<16x8192xf32>
    %dot_general3A_98 = arith.constant dense<0.000000e+00> : vector<16x8192xf32>
    %dot_general3A_99 = tpu.matmul %get3A_27, %max3A_97, %dot_general3A_98 {dimension_numbers = #tpu.dot_dimension_numbers<[1], [0], [0], [1], [0, 0, 1, 1], [], []>, transpose_lhs_hint = false} : vector<16x16xf32>, vector<16x8192xf32>, vector<16x8192xf32> -> vector<16x8192xf32>
    %add3A_100 = vector.broadcast %get3A_30 : vector<16x1xf32> to vector<16x8192xf32>
    %add3A_101 = arith.addf %dot_general3A_99, %add3A_100 : vector<16x8192xf32>
    %mul3A_102 = arith.constant 1.000000e-01 : f32
    %mul3A_103 = vector.broadcast %mul3A_102 : f32 to vector<16x8192xf32>
    %mul3A_104 = arith.mulf %mul3A_103, %add3A_101 : vector<16x8192xf32>
    %max3A_105 = arith.maximumf %add3A_101, %mul3A_104 : vector<16x8192xf32>
    %dot_general3A_106 = arith.constant dense<0.000000e+00> : vector<1x8192xf32>
    %dot_general3A_107 = tpu.matmul %get3A_33, %max3A_105, %dot_general3A_106 {dimension_numbers = #tpu.dot_dimension_numbers<[1], [0], [0], [1], [0, 0, 1, 1], [], []>, transpose_lhs_hint = false} : vector<1x16xf32>, vector<16x8192xf32>, vector<1x8192xf32> -> vector<1x8192xf32>
    %add3A_108 = vector.broadcast %get3A_36 : vector<1x1xf32> to vector<1x8192xf32>
    %add3A_109 = arith.addf %dot_general3A_107, %add3A_108 : vector<1x8192xf32>
    %mul3A_110 = arith.mulf %slice3A_5, %add3A_109 : vector<1x8192xf32>
    %add3A_111 = arith.constant 4.320000e+04 : f32
    %add3A_112 = vector.broadcast %add3A_111 : f32 to vector<1x8192xf32>
    %add3A_113 = arith.addf %add3A_21, %add3A_112 : vector<1x8192xf32>
    %jit3A_114 = arith.constant 0.000000e+00 : f32
    %jit3A_115 = arith.constant 0x4B3DD7FF : f32
    %max3A_116 = vector.broadcast %jit3A_114 : f32 to vector<1x8192xf32>
    %max3A_117 = arith.maximumf %max3A_116, %add3A_113 : vector<1x8192xf32>
    %min3A_118 = vector.broadcast %jit3A_115 : f32 to vector<1x8192xf32>
    %min3A_119 = arith.minimumf %min3A_118, %max3A_117 : vector<1x8192xf32>
    %convert_element_type3A_120 = arith.fptosi %min3A_119 : vector<1x8192xf32> to vector<1x8192xi32>
    %mul3A_121 = arith.constant 777600 : i32
    %mul3A_122 = arith.muli %arg0, %mul3A_121 : i32
    %sub3A_123 = vector.broadcast %mul3A_122 : i32 to vector<1x8192xi32>
    %sub3A_124 = arith.subi %convert_element_type3A_120, %sub3A_123 : vector<1x8192xi32>
    %jit3A_125 = arith.constant 0 : i32
    %jit3A_126 = arith.constant 777599 : i32
    %max3A_127 = vector.broadcast %jit3A_125 : i32 to vector<1x8192xi32>
    %max3A_128 = arith.maxsi %max3A_127, %sub3A_124 : vector<1x8192xi32>
    %min3A_129 = vector.broadcast %jit3A_126 : i32 to vector<1x8192xi32>
    %min3A_130 = arith.minsi %min3A_129, %max3A_128 : vector<1x8192xi32>
    %squeeze3A_131 = vector.shape_cast %min3A_130 : vector<1x8192xi32> to vector<8192xi32>
    %swap3A_132 = arith.constant 0 : index
    %swap3A_133 = arith.constant 1 : index
    %swap3A_134 = arith.constant 0 : index
    %swap3A_135 = vector.load %arg9[%swap3A_132, %swap3A_133, %swap3A_134] : memref<1x9x8192xi32, #tpu.memory_space<vmem>>, vector<1x1x8192xi32>
    %swap3A_136 = vector.shape_cast %swap3A_135 : vector<1x1x8192xi32> to vector<8192xi32>
    %swap3A_137 = vector.shape_cast %squeeze3A_131 : vector<8192xi32> to vector<1x1x8192xi32>
    tpu.vector_store %arg9[%swap3A_132, %swap3A_133, %swap3A_134], %swap3A_137 {strides = array<i32>} : memref<1x9x8192xi32, #tpu.memory_space<vmem>>, vector<1x1x8192xi32>,
    %squeeze3A_138 = vector.shape_cast %mul3A_110 : vector<1x8192xf32> to vector<8192xf32>
    %swap3A_139 = arith.constant 0 : index
    %swap3A_140 = arith.constant 1 : index
    %swap3A_141 = arith.constant 0 : index
    %swap3A_142 = vector.load %arg10[%swap3A_139, %swap3A_140, %swap3A_141] : memref<1x9x8192xf32, #tpu.memory_space<vmem>>, vector<1x1x8192xf32>
    %swap3A_143 = vector.shape_cast %swap3A_142 : vector<1x1x8192xf32> to vector<8192xf32>
    %swap3A_144 = vector.shape_cast %squeeze3A_138 : vector<8192xf32> to vector<1x1x8192xf32>
    tpu.vector_store %arg10[%swap3A_139, %swap3A_140, %swap3A_141], %swap3A_144 {strides = array<i32>} : memref<1x9x8192xf32, #tpu.memory_space<vmem>>, vector<1x1x8192xf32>,
    %get3A_145 = arith.constant 0 : index
    %get3A_146 = arith.constant 2 : index
    %get3A_147 = vector.load %arg4[%get3A_145, %get3A_146] : memref<16x9xf32, #tpu.memory_space<vmem>>, vector<16x1xf32>
    %add3A_148 = vector.broadcast %get3A_147 : vector<16x1xf32> to vector<16x8192xf32>
    %add3A_149 = arith.addf %mul3A_39, %add3A_148 : vector<16x8192xf32>
    %mul3A_150 = arith.constant 1.000000e-01 : f32
    %mul3A_151 = vector.broadcast %mul3A_150 : f32 to vector<16x8192xf32>
    %mul3A_152 = arith.mulf %mul3A_151, %add3A_149 : vector<16x8192xf32>
    %max3A_153 = arith.maximumf %add3A_149, %mul3A_152 : vector<16x8192xf32>
    %dot_general3A_154 = arith.constant dense<0.000000e+00> : vector<16x8192xf32>
    %dot_general3A_155 = tpu.matmul %get3A_27, %max3A_153, %dot_general3A_154 {dimension_numbers = #tpu.dot_dimension_numbers<[1], [0], [0], [1], [0, 0, 1, 1], [], []>, transpose_lhs_hint = false} : vector<16x16xf32>, vector<16x8192xf32>, vector<16x8192xf32> -> vector<16x8192xf32>
    %add3A_156 = vector.broadcast %get3A_30 : vector<16x1xf32> to vector<16x8192xf32>
    %add3A_157 = arith.addf %dot_general3A_155, %add3A_156 : vector<16x8192xf32>
    %mul3A_158 = arith.constant 1.000000e-01 : f32
    %mul3A_159 = vector.broadcast %mul3A_158 : f32 to vector<16x8192xf32>
    %mul3A_160 = arith.mulf %mul3A_159, %add3A_157 : vector<16x8192xf32>
    %max3A_161 = arith.maximumf %add3A_157, %mul3A_160 : vector<16x8192xf32>
    %dot_general3A_162 = arith.constant dense<0.000000e+00> : vector<1x8192xf32>
    %dot_general3A_163 = tpu.matmul %get3A_33, %max3A_161, %dot_general3A_162 {dimension_numbers = #tpu.dot_dimension_numbers<[1], [0], [0], [1], [0, 0, 1, 1], [], []>, transpose_lhs_hint = false} : vector<1x16xf32>, vector<16x8192xf32>, vector<1x8192xf32> -> vector<1x8192xf32>
    %add3A_164 = vector.broadcast %get3A_36 : vector<1x1xf32> to vector<1x8192xf32>
    %add3A_165 = arith.addf %dot_general3A_163, %add3A_164 : vector<1x8192xf32>
    %mul3A_166 = arith.mulf %slice3A_5, %add3A_165 : vector<1x8192xf32>
    %add3A_167 = arith.constant 8.640000e+04 : f32
    %add3A_168 = vector.broadcast %add3A_167 : f32 to vector<1x8192xf32>
    %add3A_169 = arith.addf %add3A_21, %add3A_168 : vector<1x8192xf32>
    %jit3A_170 = arith.constant 0.000000e+00 : f32
    %jit3A_171 = arith.constant 0x4B3DD7FF : f32
    %max3A_172 = vector.broadcast %jit3A_170 : f32 to vector<1x8192xf32>
    %max3A_173 = arith.maximumf %max3A_172, %add3A_169 : vector<1x8192xf32>
    %min3A_174 = vector.broadcast %jit3A_171 : f32 to vector<1x8192xf32>
    %min3A_175 = arith.minimumf %min3A_174, %max3A_173 : vector<1x8192xf32>
    %convert_element_type3A_176 = arith.fptosi %min3A_175 : vector<1x8192xf32> to vector<1x8192xi32>
    %mul3A_177 = arith.constant 777600 : i32
    %mul3A_178 = arith.muli %arg0, %mul3A_177 : i32
    %sub3A_179 = vector.broadcast %mul3A_178 : i32 to vector<1x8192xi32>
    %sub3A_180 = arith.subi %convert_element_type3A_176, %sub3A_179 : vector<1x8192xi32>
    %jit3A_181 = arith.constant 0 : i32
    %jit3A_182 = arith.constant 777599 : i32
    %max3A_183 = vector.broadcast %jit3A_181 : i32 to vector<1x8192xi32>
    %max3A_184 = arith.maxsi %max3A_183, %sub3A_180 : vector<1x8192xi32>
    %min3A_185 = vector.broadcast %jit3A_182 : i32 to vector<1x8192xi32>
    %min3A_186 = arith.minsi %min3A_185, %max3A_184 : vector<1x8192xi32>
    %squeeze3A_187 = vector.shape_cast %min3A_186 : vector<1x8192xi32> to vector<8192xi32>
    %swap3A_188 = arith.constant 0 : index
    %swap3A_189 = arith.constant 2 : index
    %swap3A_190 = arith.constant 0 : index
    %swap3A_191 = vector.load %arg9[%swap3A_188, %swap3A_189, %swap3A_190] : memref<1x9x8192xi32, #tpu.memory_space<vmem>>, vector<1x1x8192xi32>
    %swap3A_192 = vector.shape_cast %swap3A_191 : vector<1x1x8192xi32> to vector<8192xi32>
    %swap3A_193 = vector.shape_cast %squeeze3A_187 : vector<8192xi32> to vector<1x1x8192xi32>
    tpu.vector_store %arg9[%swap3A_188, %swap3A_189, %swap3A_190], %swap3A_193 {strides = array<i32>} : memref<1x9x8192xi32, #tpu.memory_space<vmem>>, vector<1x1x8192xi32>,
    %squeeze3A_194 = vector.shape_cast %mul3A_166 : vector<1x8192xf32> to vector<8192xf32>
    %swap3A_195 = arith.constant 0 : index
    %swap3A_196 = arith.constant 2 : index
    %swap3A_197 = arith.constant 0 : index
    %swap3A_198 = vector.load %arg10[%swap3A_195, %swap3A_196, %swap3A_197] : memref<1x9x8192xf32, #tpu.memory_space<vmem>>, vector<1x1x8192xf32>
    %swap3A_199 = vector.shape_cast %swap3A_198 : vector<1x1x8192xf32> to vector<8192xf32>
    %swap3A_200 = vector.shape_cast %squeeze3A_194 : vector<8192xf32> to vector<1x1x8192xf32>
    tpu.vector_store %arg10[%swap3A_195, %swap3A_196, %swap3A_197], %swap3A_200 {strides = array<i32>} : memref<1x9x8192xf32, #tpu.memory_space<vmem>>, vector<1x1x8192xf32>,
    %get3A_201 = arith.constant 0 : index
    %get3A_202 = arith.constant 3 : index
    %get3A_203 = vector.load %arg4[%get3A_201, %get3A_202] : memref<16x9xf32, #tpu.memory_space<vmem>>, vector<16x1xf32>
    %add3A_204 = vector.broadcast %get3A_203 : vector<16x1xf32> to vector<16x8192xf32>
    %add3A_205 = arith.addf %mul3A_39, %add3A_204 : vector<16x8192xf32>
    %mul3A_206 = arith.constant 1.000000e-01 : f32
    %mul3A_207 = vector.broadcast %mul3A_206 : f32 to vector<16x8192xf32>
    %mul3A_208 = arith.mulf %mul3A_207, %add3A_205 : vector<16x8192xf32>
    %max3A_209 = arith.maximumf %add3A_205, %mul3A_208 : vector<16x8192xf32>
    %dot_general3A_210 = arith.constant dense<0.000000e+00> : vector<16x8192xf32>
    %dot_general3A_211 = tpu.matmul %get3A_27, %max3A_209, %dot_general3A_210 {dimension_numbers = #tpu.dot_dimension_numbers<[1], [0], [0], [1], [0, 0, 1, 1], [], []>, transpose_lhs_hint = false} : vector<16x16xf32>, vector<16x8192xf32>, vector<16x8192xf32> -> vector<16x8192xf32>
    %add3A_212 = vector.broadcast %get3A_30 : vector<16x1xf32> to vector<16x8192xf32>
    %add3A_213 = arith.addf %dot_general3A_211, %add3A_212 : vector<16x8192xf32>
    %mul3A_214 = arith.constant 1.000000e-01 : f32
    %mul3A_215 = vector.broadcast %mul3A_214 : f32 to vector<16x8192xf32>
    %mul3A_216 = arith.mulf %mul3A_215, %add3A_213 : vector<16x8192xf32>
    %max3A_217 = arith.maximumf %add3A_213, %mul3A_216 : vector<16x8192xf32>
    %dot_general3A_218 = arith.constant dense<0.000000e+00> : vector<1x8192xf32>
    %dot_general3A_219 = tpu.matmul %get3A_33, %max3A_217, %dot_general3A_218 {dimension_numbers = #tpu.dot_dimension_numbers<[1], [0], [0], [1], [0, 0, 1, 1], [], []>, transpose_lhs_hint = false} : vector<1x16xf32>, vector<16x8192xf32>, vector<1x8192xf32> -> vector<1x8192xf32>
    %add3A_220 = vector.broadcast %get3A_36 : vector<1x1xf32> to vector<1x8192xf32>
    %add3A_221 = arith.addf %dot_general3A_219, %add3A_220 : vector<1x8192xf32>
    %mul3A_222 = arith.mulf %slice3A_5, %add3A_221 : vector<1x8192xf32>
    %add3A_223 = arith.constant 1.296000e+05 : f32
    %add3A_224 = vector.broadcast %add3A_223 : f32 to vector<1x8192xf32>
    %add3A_225 = arith.addf %add3A_21, %add3A_224 : vector<1x8192xf32>
    %jit3A_226 = arith.constant 0.000000e+00 : f32
    %jit3A_227 = arith.constant 0x4B3DD7FF : f32
    %max3A_228 = vector.broadcast %jit3A_226 : f32 to vector<1x8192xf32>
    %max3A_229 = arith.maximumf %max3A_228, %add3A_225 : vector<1x8192xf32>
    %min3A_230 = vector.broadcast %jit3A_227 : f32 to vector<1x8192xf32>
    %min3A_231 = arith.minimumf %min3A_230, %max3A_229 : vector<1x8192xf32>
    %convert_element_type3A_232 = arith.fptosi %min3A_231 : vector<1x8192xf32> to vector<1x8192xi32>
    %mul3A_233 = arith.constant 777600 : i32
    %mul3A_234 = arith.muli %arg0, %mul3A_233 : i32
    %sub3A_235 = vector.broadcast %mul3A_234 : i32 to vector<1x8192xi32>
    %sub3A_236 = arith.subi %convert_element_type3A_232, %sub3A_235 : vector<1x8192xi32>
    %jit3A_237 = arith.constant 0 : i32
    %jit3A_238 = arith.constant 777599 : i32
    %max3A_239 = vector.broadcast %jit3A_237 : i32 to vector<1x8192xi32>
    %max3A_240 = arith.maxsi %max3A_239, %sub3A_236 : vector<1x8192xi32>
    %min3A_241 = vector.broadcast %jit3A_238 : i32 to vector<1x8192xi32>
    %min3A_242 = arith.minsi %min3A_241, %max3A_240 : vector<1x8192xi32>
    %squeeze3A_243 = vector.shape_cast %min3A_242 : vector<1x8192xi32> to vector<8192xi32>
    %swap3A_244 = arith.constant 0 : index
    %swap3A_245 = arith.constant 3 : index
    %swap3A_246 = arith.constant 0 : index
    %swap3A_247 = vector.load %arg9[%swap3A_244, %swap3A_245, %swap3A_246] : memref<1x9x8192xi32, #tpu.memory_space<vmem>>, vector<1x1x8192xi32>
    %swap3A_248 = vector.shape_cast %swap3A_247 : vector<1x1x8192xi32> to vector<8192xi32>
    %swap3A_249 = vector.shape_cast %squeeze3A_243 : vector<8192xi32> to vector<1x1x8192xi32>
    tpu.vector_store %arg9[%swap3A_244, %swap3A_245, %swap3A_246], %swap3A_249 {strides = array<i32>} : memref<1x9x8192xi32, #tpu.memory_space<vmem>>, vector<1x1x8192xi32>,
    %squeeze3A_250 = vector.shape_cast %mul3A_222 : vector<1x8192xf32> to vector<8192xf32>
    %swap3A_251 = arith.constant 0 : index
    %swap3A_252 = arith.constant 3 : index
    %swap3A_253 = arith.constant 0 : index
    %swap3A_254 = vector.load %arg10[%swap3A_251, %swap3A_252, %swap3A_253] : memref<1x9x8192xf32, #tpu.memory_space<vmem>>, vector<1x1x8192xf32>
    %swap3A_255 = vector.shape_cast %swap3A_254 : vector<1x1x8192xf32> to vector<8192xf32>
    %swap3A_256 = vector.shape_cast %squeeze3A_250 : vector<8192xf32> to vector<1x1x8192xf32>
    tpu.vector_store %arg10[%swap3A_251, %swap3A_252, %swap3A_253], %swap3A_256 {strides = array<i32>} : memref<1x9x8192xf32, #tpu.memory_space<vmem>>, vector<1x1x8192xf32>,
    %get3A_257 = arith.constant 0 : index
    %get3A_258 = arith.constant 4 : index
    %get3A_259 = vector.load %arg4[%get3A_257, %get3A_258] : memref<16x9xf32, #tpu.memory_space<vmem>>, vector<16x1xf32>
    %add3A_260 = vector.broadcast %get3A_259 : vector<16x1xf32> to vector<16x8192xf32>
    %add3A_261 = arith.addf %mul3A_39, %add3A_260 : vector<16x8192xf32>
    %mul3A_262 = arith.constant 1.000000e-01 : f32
    %mul3A_263 = vector.broadcast %mul3A_262 : f32 to vector<16x8192xf32>
    %mul3A_264 = arith.mulf %mul3A_263, %add3A_261 : vector<16x8192xf32>
    %max3A_265 = arith.maximumf %add3A_261, %mul3A_264 : vector<16x8192xf32>
    %dot_general3A_266 = arith.constant dense<0.000000e+00> : vector<16x8192xf32>
    %dot_general3A_267 = tpu.matmul %get3A_27, %max3A_265, %dot_general3A_266 {dimension_numbers = #tpu.dot_dimension_numbers<[1], [0], [0], [1], [0, 0, 1, 1], [], []>, transpose_lhs_hint = false} : vector<16x16xf32>, vector<16x8192xf32>, vector<16x8192xf32> -> vector<16x8192xf32>
    %add3A_268 = vector.broadcast %get3A_30 : vector<16x1xf32> to vector<16x8192xf32>
    %add3A_269 = arith.addf %dot_general3A_267, %add3A_268 : vector<16x8192xf32>
    %mul3A_270 = arith.constant 1.000000e-01 : f32
    %mul3A_271 = vector.broadcast %mul3A_270 : f32 to vector<16x8192xf32>
    %mul3A_272 = arith.mulf %mul3A_271, %add3A_269 : vector<16x8192xf32>
    %max3A_273 = arith.maximumf %add3A_269, %mul3A_272 : vector<16x8192xf32>
    %dot_general3A_274 = arith.constant dense<0.000000e+00> : vector<1x8192xf32>
    %dot_general3A_275 = tpu.matmul %get3A_33, %max3A_273, %dot_general3A_274 {dimension_numbers = #tpu.dot_dimension_numbers<[1], [0], [0], [1], [0, 0, 1, 1], [], []>, transpose_lhs_hint = false} : vector<1x16xf32>, vector<16x8192xf32>, vector<1x8192xf32> -> vector<1x8192xf32>
    %add3A_276 = vector.broadcast %get3A_36 : vector<1x1xf32> to vector<1x8192xf32>
    %add3A_277 = arith.addf %dot_general3A_275, %add3A_276 : vector<1x8192xf32>
    %mul3A_278 = arith.mulf %slice3A_5, %add3A_277 : vector<1x8192xf32>
    %add3A_279 = arith.constant 1.728000e+05 : f32
    %add3A_280 = vector.broadcast %add3A_279 : f32 to vector<1x8192xf32>
    %add3A_281 = arith.addf %add3A_21, %add3A_280 : vector<1x8192xf32>
    %jit3A_282 = arith.constant 0.000000e+00 : f32
    %jit3A_283 = arith.constant 0x4B3DD7FF : f32
    %max3A_284 = vector.broadcast %jit3A_282 : f32 to vector<1x8192xf32>
    %max3A_285 = arith.maximumf %max3A_284, %add3A_281 : vector<1x8192xf32>
    %min3A_286 = vector.broadcast %jit3A_283 : f32 to vector<1x8192xf32>
    %min3A_287 = arith.minimumf %min3A_286, %max3A_285 : vector<1x8192xf32>
    %convert_element_type3A_288 = arith.fptosi %min3A_287 : vector<1x8192xf32> to vector<1x8192xi32>
    %mul3A_289 = arith.constant 777600 : i32
    %mul3A_290 = arith.muli %arg0, %mul3A_289 : i32
    %sub3A_291 = vector.broadcast %mul3A_290 : i32 to vector<1x8192xi32>
    %sub3A_292 = arith.subi %convert_element_type3A_288, %sub3A_291 : vector<1x8192xi32>
    %jit3A_293 = arith.constant 0 : i32
    %jit3A_294 = arith.constant 777599 : i32
    %max3A_295 = vector.broadcast %jit3A_293 : i32 to vector<1x8192xi32>
    %max3A_296 = arith.maxsi %max3A_295, %sub3A_292 : vector<1x8192xi32>
    %min3A_297 = vector.broadcast %jit3A_294 : i32 to vector<1x8192xi32>
    %min3A_298 = arith.minsi %min3A_297, %max3A_296 : vector<1x8192xi32>
    %squeeze3A_299 = vector.shape_cast %min3A_298 : vector<1x8192xi32> to vector<8192xi32>
    %swap3A_300 = arith.constant 0 : index
    %swap3A_301 = arith.constant 4 : index
    %swap3A_302 = arith.constant 0 : index
    %swap3A_303 = vector.load %arg9[%swap3A_300, %swap3A_301, %swap3A_302] : memref<1x9x8192xi32, #tpu.memory_space<vmem>>, vector<1x1x8192xi32>
    %swap3A_304 = vector.shape_cast %swap3A_303 : vector<1x1x8192xi32> to vector<8192xi32>
    %swap3A_305 = vector.shape_cast %squeeze3A_299 : vector<8192xi32> to vector<1x1x8192xi32>
    tpu.vector_store %arg9[%swap3A_300, %swap3A_301, %swap3A_302], %swap3A_305 {strides = array<i32>} : memref<1x9x8192xi32, #tpu.memory_space<vmem>>, vector<1x1x8192xi32>,
    %squeeze3A_306 = vector.shape_cast %mul3A_278 : vector<1x8192xf32> to vector<8192xf32>
    %swap3A_307 = arith.constant 0 : index
    %swap3A_308 = arith.constant 4 : index
    %swap3A_309 = arith.constant 0 : index
    %swap3A_310 = vector.load %arg10[%swap3A_307, %swap3A_308, %swap3A_309] : memref<1x9x8192xf32, #tpu.memory_space<vmem>>, vector<1x1x8192xf32>
    %swap3A_311 = vector.shape_cast %swap3A_310 : vector<1x1x8192xf32> to vector<8192xf32>
    %swap3A_312 = vector.shape_cast %squeeze3A_306 : vector<8192xf32> to vector<1x1x8192xf32>
    tpu.vector_store %arg10[%swap3A_307, %swap3A_308, %swap3A_309], %swap3A_312 {strides = array<i32>} : memref<1x9x8192xf32, #tpu.memory_space<vmem>>, vector<1x1x8192xf32>,
    %get3A_313 = arith.constant 0 : index
    %get3A_314 = arith.constant 5 : index
    %get3A_315 = vector.load %arg4[%get3A_313, %get3A_314] : memref<16x9xf32, #tpu.memory_space<vmem>>, vector<16x1xf32>
    %add3A_316 = vector.broadcast %get3A_315 : vector<16x1xf32> to vector<16x8192xf32>
    %add3A_317 = arith.addf %mul3A_39, %add3A_316 : vector<16x8192xf32>
    %mul3A_318 = arith.constant 1.000000e-01 : f32
    %mul3A_319 = vector.broadcast %mul3A_318 : f32 to vector<16x8192xf32>
    %mul3A_320 = arith.mulf %mul3A_319, %add3A_317 : vector<16x8192xf32>
    %max3A_321 = arith.maximumf %add3A_317, %mul3A_320 : vector<16x8192xf32>
    %dot_general3A_322 = arith.constant dense<0.000000e+00> : vector<16x8192xf32>
    %dot_general3A_323 = tpu.matmul %get3A_27, %max3A_321, %dot_general3A_322 {dimension_numbers = #tpu.dot_dimension_numbers<[1], [0], [0], [1], [0, 0, 1, 1], [], []>, transpose_lhs_hint = false} : vector<16x16xf32>, vector<16x8192xf32>, vector<16x8192xf32> -> vector<16x8192xf32>
    %add3A_324 = vector.broadcast %get3A_30 : vector<16x1xf32> to vector<16x8192xf32>
    %add3A_325 = arith.addf %dot_general3A_323, %add3A_324 : vector<16x8192xf32>
    %mul3A_326 = arith.constant 1.000000e-01 : f32
    %mul3A_327 = vector.broadcast %mul3A_326 : f32 to vector<16x8192xf32>
    %mul3A_328 = arith.mulf %mul3A_327, %add3A_325 : vector<16x8192xf32>
    %max3A_329 = arith.maximumf %add3A_325, %mul3A_328 : vector<16x8192xf32>
    %dot_general3A_330 = arith.constant dense<0.000000e+00> : vector<1x8192xf32>
    %dot_general3A_331 = tpu.matmul %get3A_33, %max3A_329, %dot_general3A_330 {dimension_numbers = #tpu.dot_dimension_numbers<[1], [0], [0], [1], [0, 0, 1, 1], [], []>, transpose_lhs_hint = false} : vector<1x16xf32>, vector<16x8192xf32>, vector<1x8192xf32> -> vector<1x8192xf32>
    %add3A_332 = vector.broadcast %get3A_36 : vector<1x1xf32> to vector<1x8192xf32>
    %add3A_333 = arith.addf %dot_general3A_331, %add3A_332 : vector<1x8192xf32>
    %mul3A_334 = arith.mulf %slice3A_5, %add3A_333 : vector<1x8192xf32>
    %add3A_335 = arith.constant 2.160000e+05 : f32
    %add3A_336 = vector.broadcast %add3A_335 : f32 to vector<1x8192xf32>
    %add3A_337 = arith.addf %add3A_21, %add3A_336 : vector<1x8192xf32>
    %jit3A_338 = arith.constant 0.000000e+00 : f32
    %jit3A_339 = arith.constant 0x4B3DD7FF : f32
    %max3A_340 = vector.broadcast %jit3A_338 : f32 to vector<1x8192xf32>
    %max3A_341 = arith.maximumf %max3A_340, %add3A_337 : vector<1x8192xf32>
    %min3A_342 = vector.broadcast %jit3A_339 : f32 to vector<1x8192xf32>
    %min3A_343 = arith.minimumf %min3A_342, %max3A_341 : vector<1x8192xf32>
    %convert_element_type3A_344 = arith.fptosi %min3A_343 : vector<1x8192xf32> to vector<1x8192xi32>
    %mul3A_345 = arith.constant 777600 : i32
    %mul3A_346 = arith.muli %arg0, %mul3A_345 : i32
    %sub3A_347 = vector.broadcast %mul3A_346 : i32 to vector<1x8192xi32>
    %sub3A_348 = arith.subi %convert_element_type3A_344, %sub3A_347 : vector<1x8192xi32>
    %jit3A_349 = arith.constant 0 : i32
    %jit3A_350 = arith.constant 777599 : i32
    %max3A_351 = vector.broadcast %jit3A_349 : i32 to vector<1x8192xi32>
    %max3A_352 = arith.maxsi %max3A_351, %sub3A_348 : vector<1x8192xi32>
    %min3A_353 = vector.broadcast %jit3A_350 : i32 to vector<1x8192xi32>
    %min3A_354 = arith.minsi %min3A_353, %max3A_352 : vector<1x8192xi32>
    %squeeze3A_355 = vector.shape_cast %min3A_354 : vector<1x8192xi32> to vector<8192xi32>
    %swap3A_356 = arith.constant 0 : index
    %swap3A_357 = arith.constant 5 : index
    %swap3A_358 = arith.constant 0 : index
    %swap3A_359 = vector.load %arg9[%swap3A_356, %swap3A_357, %swap3A_358] : memref<1x9x8192xi32, #tpu.memory_space<vmem>>, vector<1x1x8192xi32>
    %swap3A_360 = vector.shape_cast %swap3A_359 : vector<1x1x8192xi32> to vector<8192xi32>
    %swap3A_361 = vector.shape_cast %squeeze3A_355 : vector<8192xi32> to vector<1x1x8192xi32>
    tpu.vector_store %arg9[%swap3A_356, %swap3A_357, %swap3A_358], %swap3A_361 {strides = array<i32>} : memref<1x9x8192xi32, #tpu.memory_space<vmem>>, vector<1x1x8192xi32>,
    %squeeze3A_362 = vector.shape_cast %mul3A_334 : vector<1x8192xf32> to vector<8192xf32>
    %swap3A_363 = arith.constant 0 : index
    %swap3A_364 = arith.constant 5 : index
    %swap3A_365 = arith.constant 0 : index
    %swap3A_366 = vector.load %arg10[%swap3A_363, %swap3A_364, %swap3A_365] : memref<1x9x8192xf32, #tpu.memory_space<vmem>>, vector<1x1x8192xf32>
    %swap3A_367 = vector.shape_cast %swap3A_366 : vector<1x1x8192xf32> to vector<8192xf32>
    %swap3A_368 = vector.shape_cast %squeeze3A_362 : vector<8192xf32> to vector<1x1x8192xf32>
    tpu.vector_store %arg10[%swap3A_363, %swap3A_364, %swap3A_365], %swap3A_368 {strides = array<i32>} : memref<1x9x8192xf32, #tpu.memory_space<vmem>>, vector<1x1x8192xf32>,
    %get3A_369 = arith.constant 0 : index
    %get3A_370 = arith.constant 6 : index
    %get3A_371 = vector.load %arg4[%get3A_369, %get3A_370] : memref<16x9xf32, #tpu.memory_space<vmem>>, vector<16x1xf32>
    %add3A_372 = vector.broadcast %get3A_371 : vector<16x1xf32> to vector<16x8192xf32>
    %add3A_373 = arith.addf %mul3A_39, %add3A_372 : vector<16x8192xf32>
    %mul3A_374 = arith.constant 1.000000e-01 : f32
    %mul3A_375 = vector.broadcast %mul3A_374 : f32 to vector<16x8192xf32>
    %mul3A_376 = arith.mulf %mul3A_375, %add3A_373 : vector<16x8192xf32>
    %max3A_377 = arith.maximumf %add3A_373, %mul3A_376 : vector<16x8192xf32>
    %dot_general3A_378 = arith.constant dense<0.000000e+00> : vector<16x8192xf32>
    %dot_general3A_379 = tpu.matmul %get3A_27, %max3A_377, %dot_general3A_378 {dimension_numbers = #tpu.dot_dimension_numbers<[1], [0], [0], [1], [0, 0, 1, 1], [], []>, transpose_lhs_hint = false} : vector<16x16xf32>, vector<16x8192xf32>, vector<16x8192xf32> -> vector<16x8192xf32>
    %add3A_380 = vector.broadcast %get3A_30 : vector<16x1xf32> to vector<16x8192xf32>
    %add3A_381 = arith.addf %dot_general3A_379, %add3A_380 : vector<16x8192xf32>
    %mul3A_382 = arith.constant 1.000000e-01 : f32
    %mul3A_383 = vector.broadcast %mul3A_382 : f32 to vector<16x8192xf32>
    %mul3A_384 = arith.mulf %mul3A_383, %add3A_381 : vector<16x8192xf32>
    %max3A_385 = arith.maximumf %add3A_381, %mul3A_384 : vector<16x8192xf32>
    %dot_general3A_386 = arith.constant dense<0.000000e+00> : vector<1x8192xf32>
    %dot_general3A_387 = tpu.matmul %get3A_33, %max3A_385, %dot_general3A_386 {dimension_numbers = #tpu.dot_dimension_numbers<[1], [0], [0], [1], [0, 0, 1, 1], [], []>, transpose_lhs_hint = false} : vector<1x16xf32>, vector<16x8192xf32>, vector<1x8192xf32> -> vector<1x8192xf32>
    %add3A_388 = vector.broadcast %get3A_36 : vector<1x1xf32> to vector<1x8192xf32>
    %add3A_389 = arith.addf %dot_general3A_387, %add3A_388 : vector<1x8192xf32>
    %mul3A_390 = arith.mulf %slice3A_5, %add3A_389 : vector<1x8192xf32>
    %add3A_391 = arith.constant 2.592000e+05 : f32
    %add3A_392 = vector.broadcast %add3A_391 : f32 to vector<1x8192xf32>
    %add3A_393 = arith.addf %add3A_21, %add3A_392 : vector<1x8192xf32>
    %jit3A_394 = arith.constant 0.000000e+00 : f32
    %jit3A_395 = arith.constant 0x4B3DD7FF : f32
    %max3A_396 = vector.broadcast %jit3A_394 : f32 to vector<1x8192xf32>
    %max3A_397 = arith.maximumf %max3A_396, %add3A_393 : vector<1x8192xf32>
    %min3A_398 = vector.broadcast %jit3A_395 : f32 to vector<1x8192xf32>
    %min3A_399 = arith.minimumf %min3A_398, %max3A_397 : vector<1x8192xf32>
    %convert_element_type3A_400 = arith.fptosi %min3A_399 : vector<1x8192xf32> to vector<1x8192xi32>
    %mul3A_401 = arith.constant 777600 : i32
    %mul3A_402 = arith.muli %arg0, %mul3A_401 : i32
    %sub3A_403 = vector.broadcast %mul3A_402 : i32 to vector<1x8192xi32>
    %sub3A_404 = arith.subi %convert_element_type3A_400, %sub3A_403 : vector<1x8192xi32>
    %jit3A_405 = arith.constant 0 : i32
    %jit3A_406 = arith.constant 777599 : i32
    %max3A_407 = vector.broadcast %jit3A_405 : i32 to vector<1x8192xi32>
    %max3A_408 = arith.maxsi %max3A_407, %sub3A_404 : vector<1x8192xi32>
    %min3A_409 = vector.broadcast %jit3A_406 : i32 to vector<1x8192xi32>
    %min3A_410 = arith.minsi %min3A_409, %max3A_408 : vector<1x8192xi32>
    %squeeze3A_411 = vector.shape_cast %min3A_410 : vector<1x8192xi32> to vector<8192xi32>
    %swap3A_412 = arith.constant 0 : index
    %swap3A_413 = arith.constant 6 : index
    %swap3A_414 = arith.constant 0 : index
    %swap3A_415 = vector.load %arg9[%swap3A_412, %swap3A_413, %swap3A_414] : memref<1x9x8192xi32, #tpu.memory_space<vmem>>, vector<1x1x8192xi32>
    %swap3A_416 = vector.shape_cast %swap3A_415 : vector<1x1x8192xi32> to vector<8192xi32>
    %swap3A_417 = vector.shape_cast %squeeze3A_411 : vector<8192xi32> to vector<1x1x8192xi32>
    tpu.vector_store %arg9[%swap3A_412, %swap3A_413, %swap3A_414], %swap3A_417 {strides = array<i32>} : memref<1x9x8192xi32, #tpu.memory_space<vmem>>, vector<1x1x8192xi32>,
    %squeeze3A_418 = vector.shape_cast %mul3A_390 : vector<1x8192xf32> to vector<8192xf32>
    %swap3A_419 = arith.constant 0 : index
    %swap3A_420 = arith.constant 6 : index
    %swap3A_421 = arith.constant 0 : index
    %swap3A_422 = vector.load %arg10[%swap3A_419, %swap3A_420, %swap3A_421] : memref<1x9x8192xf32, #tpu.memory_space<vmem>>, vector<1x1x8192xf32>
    %swap3A_423 = vector.shape_cast %swap3A_422 : vector<1x1x8192xf32> to vector<8192xf32>
    %swap3A_424 = vector.shape_cast %squeeze3A_418 : vector<8192xf32> to vector<1x1x8192xf32>
    tpu.vector_store %arg10[%swap3A_419, %swap3A_420, %swap3A_421], %swap3A_424 {strides = array<i32>} : memref<1x9x8192xf32, #tpu.memory_space<vmem>>, vector<1x1x8192xf32>,
    %get3A_425 = arith.constant 0 : index
    %get3A_426 = arith.constant 7 : index
    %get3A_427 = vector.load %arg4[%get3A_425, %get3A_426] : memref<16x9xf32, #tpu.memory_space<vmem>>, vector<16x1xf32>
    %add3A_428 = vector.broadcast %get3A_427 : vector<16x1xf32> to vector<16x8192xf32>
    %add3A_429 = arith.addf %mul3A_39, %add3A_428 : vector<16x8192xf32>
    %mul3A_430 = arith.constant 1.000000e-01 : f32
    %mul3A_431 = vector.broadcast %mul3A_430 : f32 to vector<16x8192xf32>
    %mul3A_432 = arith.mulf %mul3A_431, %add3A_429 : vector<16x8192xf32>
    %max3A_433 = arith.maximumf %add3A_429, %mul3A_432 : vector<16x8192xf32>
    %dot_general3A_434 = arith.constant dense<0.000000e+00> : vector<16x8192xf32>
    %dot_general3A_435 = tpu.matmul %get3A_27, %max3A_433, %dot_general3A_434 {dimension_numbers = #tpu.dot_dimension_numbers<[1], [0], [0], [1], [0, 0, 1, 1], [], []>, transpose_lhs_hint = false} : vector<16x16xf32>, vector<16x8192xf32>, vector<16x8192xf32> -> vector<16x8192xf32>
    %add3A_436 = vector.broadcast %get3A_30 : vector<16x1xf32> to vector<16x8192xf32>
    %add3A_437 = arith.addf %dot_general3A_435, %add3A_436 : vector<16x8192xf32>
    %mul3A_438 = arith.constant 1.000000e-01 : f32
    %mul3A_439 = vector.broadcast %mul3A_438 : f32 to vector<16x8192xf32>
    %mul3A_440 = arith.mulf %mul3A_439, %add3A_437 : vector<16x8192xf32>
    %max3A_441 = arith.maximumf %add3A_437, %mul3A_440 : vector<16x8192xf32>
    %dot_general3A_442 = arith.constant dense<0.000000e+00> : vector<1x8192xf32>
    %dot_general3A_443 = tpu.matmul %get3A_33, %max3A_441, %dot_general3A_442 {dimension_numbers = #tpu.dot_dimension_numbers<[1], [0], [0], [1], [0, 0, 1, 1], [], []>, transpose_lhs_hint = false} : vector<1x16xf32>, vector<16x8192xf32>, vector<1x8192xf32> -> vector<1x8192xf32>
    %add3A_444 = vector.broadcast %get3A_36 : vector<1x1xf32> to vector<1x8192xf32>
    %add3A_445 = arith.addf %dot_general3A_443, %add3A_444 : vector<1x8192xf32>
    %mul3A_446 = arith.mulf %slice3A_5, %add3A_445 : vector<1x8192xf32>
    %add3A_447 = arith.constant 3.024000e+05 : f32
    %add3A_448 = vector.broadcast %add3A_447 : f32 to vector<1x8192xf32>
    %add3A_449 = arith.addf %add3A_21, %add3A_448 : vector<1x8192xf32>
    %jit3A_450 = arith.constant 0.000000e+00 : f32
    %jit3A_451 = arith.constant 0x4B3DD7FF : f32
    %max3A_452 = vector.broadcast %jit3A_450 : f32 to vector<1x8192xf32>
    %max3A_453 = arith.maximumf %max3A_452, %add3A_449 : vector<1x8192xf32>
    %min3A_454 = vector.broadcast %jit3A_451 : f32 to vector<1x8192xf32>
    %min3A_455 = arith.minimumf %min3A_454, %max3A_453 : vector<1x8192xf32>
    %convert_element_type3A_456 = arith.fptosi %min3A_455 : vector<1x8192xf32> to vector<1x8192xi32>
    %mul3A_457 = arith.constant 777600 : i32
    %mul3A_458 = arith.muli %arg0, %mul3A_457 : i32
    %sub3A_459 = vector.broadcast %mul3A_458 : i32 to vector<1x8192xi32>
    %sub3A_460 = arith.subi %convert_element_type3A_456, %sub3A_459 : vector<1x8192xi32>
    %jit3A_461 = arith.constant 0 : i32
    %jit3A_462 = arith.constant 777599 : i32
    %max3A_463 = vector.broadcast %jit3A_461 : i32 to vector<1x8192xi32>
    %max3A_464 = arith.maxsi %max3A_463, %sub3A_460 : vector<1x8192xi32>
    %min3A_465 = vector.broadcast %jit3A_462 : i32 to vector<1x8192xi32>
    %min3A_466 = arith.minsi %min3A_465, %max3A_464 : vector<1x8192xi32>
    %squeeze3A_467 = vector.shape_cast %min3A_466 : vector<1x8192xi32> to vector<8192xi32>
    %swap3A_468 = arith.constant 0 : index
    %swap3A_469 = arith.constant 7 : index
    %swap3A_470 = arith.constant 0 : index
    %swap3A_471 = vector.load %arg9[%swap3A_468, %swap3A_469, %swap3A_470] : memref<1x9x8192xi32, #tpu.memory_space<vmem>>, vector<1x1x8192xi32>
    %swap3A_472 = vector.shape_cast %swap3A_471 : vector<1x1x8192xi32> to vector<8192xi32>
    %swap3A_473 = vector.shape_cast %squeeze3A_467 : vector<8192xi32> to vector<1x1x8192xi32>
    tpu.vector_store %arg9[%swap3A_468, %swap3A_469, %swap3A_470], %swap3A_473 {strides = array<i32>} : memref<1x9x8192xi32, #tpu.memory_space<vmem>>, vector<1x1x8192xi32>,
    %squeeze3A_474 = vector.shape_cast %mul3A_446 : vector<1x8192xf32> to vector<8192xf32>
    %swap3A_475 = arith.constant 0 : index
    %swap3A_476 = arith.constant 7 : index
    %swap3A_477 = arith.constant 0 : index
    %swap3A_478 = vector.load %arg10[%swap3A_475, %swap3A_476, %swap3A_477] : memref<1x9x8192xf32, #tpu.memory_space<vmem>>, vector<1x1x8192xf32>
    %swap3A_479 = vector.shape_cast %swap3A_478 : vector<1x1x8192xf32> to vector<8192xf32>
    %swap3A_480 = vector.shape_cast %squeeze3A_474 : vector<8192xf32> to vector<1x1x8192xf32>
    tpu.vector_store %arg10[%swap3A_475, %swap3A_476, %swap3A_477], %swap3A_480 {strides = array<i32>} : memref<1x9x8192xf32, #tpu.memory_space<vmem>>, vector<1x1x8192xf32>,
    %get3A_481 = arith.constant 0 : index
    %get3A_482 = arith.constant 8 : index
    %get3A_483 = vector.load %arg4[%get3A_481, %get3A_482] : memref<16x9xf32, #tpu.memory_space<vmem>>, vector<16x1xf32>
    %add3A_484 = vector.broadcast %get3A_483 : vector<16x1xf32> to vector<16x8192xf32>
    %add3A_485 = arith.addf %mul3A_39, %add3A_484 : vector<16x8192xf32>
    %mul3A_486 = arith.constant 1.000000e-01 : f32
    %mul3A_487 = vector.broadcast %mul3A_486 : f32 to vector<16x8192xf32>
    %mul3A_488 = arith.mulf %mul3A_487, %add3A_485 : vector<16x8192xf32>
    %max3A_489 = arith.maximumf %add3A_485, %mul3A_488 : vector<16x8192xf32>
    %dot_general3A_490 = arith.constant dense<0.000000e+00> : vector<16x8192xf32>
    %dot_general3A_491 = tpu.matmul %get3A_27, %max3A_489, %dot_general3A_490 {dimension_numbers = #tpu.dot_dimension_numbers<[1], [0], [0], [1], [0, 0, 1, 1], [], []>, transpose_lhs_hint = false} : vector<16x16xf32>, vector<16x8192xf32>, vector<16x8192xf32> -> vector<16x8192xf32>
    %add3A_492 = vector.broadcast %get3A_30 : vector<16x1xf32> to vector<16x8192xf32>
    %add3A_493 = arith.addf %dot_general3A_491, %add3A_492 : vector<16x8192xf32>
    %mul3A_494 = arith.constant 1.000000e-01 : f32
    %mul3A_495 = vector.broadcast %mul3A_494 : f32 to vector<16x8192xf32>
    %mul3A_496 = arith.mulf %mul3A_495, %add3A_493 : vector<16x8192xf32>
    %max3A_497 = arith.maximumf %add3A_493, %mul3A_496 : vector<16x8192xf32>
    %dot_general3A_498 = arith.constant dense<0.000000e+00> : vector<1x8192xf32>
    %dot_general3A_499 = tpu.matmul %get3A_33, %max3A_497, %dot_general3A_498 {dimension_numbers = #tpu.dot_dimension_numbers<[1], [0], [0], [1], [0, 0, 1, 1], [], []>, transpose_lhs_hint = false} : vector<1x16xf32>, vector<16x8192xf32>, vector<1x8192xf32> -> vector<1x8192xf32>
    %add3A_500 = vector.broadcast %get3A_36 : vector<1x1xf32> to vector<1x8192xf32>
    %add3A_501 = arith.addf %dot_general3A_499, %add3A_500 : vector<1x8192xf32>
    %mul3A_502 = arith.mulf %slice3A_5, %add3A_501 : vector<1x8192xf32>
    %add3A_503 = arith.constant 3.456000e+05 : f32
    %add3A_504 = vector.broadcast %add3A_503 : f32 to vector<1x8192xf32>
    %add3A_505 = arith.addf %add3A_21, %add3A_504 : vector<1x8192xf32>
    %jit3A_506 = arith.constant 0.000000e+00 : f32
    %jit3A_507 = arith.constant 0x4B3DD7FF : f32
    %max3A_508 = vector.broadcast %jit3A_506 : f32 to vector<1x8192xf32>
    %max3A_509 = arith.maximumf %max3A_508, %add3A_505 : vector<1x8192xf32>
    %min3A_510 = vector.broadcast %jit3A_507 : f32 to vector<1x8192xf32>
    %min3A_511 = arith.minimumf %min3A_510, %max3A_509 : vector<1x8192xf32>
    %convert_element_type3A_512 = arith.fptosi %min3A_511 : vector<1x8192xf32> to vector<1x8192xi32>
    %mul3A_513 = arith.constant 777600 : i32
    %mul3A_514 = arith.muli %arg0, %mul3A_513 : i32
    %sub3A_515 = vector.broadcast %mul3A_514 : i32 to vector<1x8192xi32>
    %sub3A_516 = arith.subi %convert_element_type3A_512, %sub3A_515 : vector<1x8192xi32>
    %jit3A_517 = arith.constant 0 : i32
    %jit3A_518 = arith.constant 777599 : i32
    %max3A_519 = vector.broadcast %jit3A_517 : i32 to vector<1x8192xi32>
    %max3A_520 = arith.maxsi %max3A_519, %sub3A_516 : vector<1x8192xi32>
    %min3A_521 = vector.broadcast %jit3A_518 : i32 to vector<1x8192xi32>
    %min3A_522 = arith.minsi %min3A_521, %max3A_520 : vector<1x8192xi32>
    %squeeze3A_523 = vector.shape_cast %min3A_522 : vector<1x8192xi32> to vector<8192xi32>
    %swap3A_524 = arith.constant 0 : index
    %swap3A_525 = arith.constant 8 : index
    %swap3A_526 = arith.constant 0 : index
    %swap3A_527 = vector.load %arg9[%swap3A_524, %swap3A_525, %swap3A_526] : memref<1x9x8192xi32, #tpu.memory_space<vmem>>, vector<1x1x8192xi32>
    %swap3A_528 = vector.shape_cast %swap3A_527 : vector<1x1x8192xi32> to vector<8192xi32>
    %swap3A_529 = vector.shape_cast %squeeze3A_523 : vector<8192xi32> to vector<1x1x8192xi32>
    tpu.vector_store %arg9[%swap3A_524, %swap3A_525, %swap3A_526], %swap3A_529 {strides = array<i32>} : memref<1x9x8192xi32, #tpu.memory_space<vmem>>, vector<1x1x8192xi32>,
    %squeeze3A_530 = vector.shape_cast %mul3A_502 : vector<1x8192xf32> to vector<8192xf32>
    %swap3A_531 = arith.constant 0 : index
    %swap3A_532 = arith.constant 8 : index
    %swap3A_533 = arith.constant 0 : index
    %swap3A_534 = vector.load %arg10[%swap3A_531, %swap3A_532, %swap3A_533] : memref<1x9x8192xf32, #tpu.memory_space<vmem>>, vector<1x1x8192xf32>
    %swap3A_535 = vector.shape_cast %swap3A_534 : vector<1x1x8192xf32> to vector<8192xf32>
    %swap3A_536 = vector.shape_cast %squeeze3A_530 : vector<8192xf32> to vector<1x1x8192xf32>
    tpu.vector_store %arg10[%swap3A_531, %swap3A_532, %swap3A_533], %swap3A_536 {strides = array<i32>} : memref<1x9x8192xf32, #tpu.memory_space<vmem>>, vector<1x1x8192xf32>,
    return
  }
  func.func @transform_0(%arg0: i32, %arg1: i32) -> (i32, i32, i32) {
    %c0_i32 = arith.constant 0 : i32
    %c0_i32_0 = arith.constant 0 : i32
    return %arg0, %c0_i32, %arg1 : i32, i32, i32
  }
  func.func @transform_1(%arg0: i32, %arg1: i32) -> (i32, i32) {
    %c0_i32 = arith.constant 0 : i32
    %c0_i32_0 = arith.constant 0 : i32
    %c0_i32_1 = arith.constant 0 : i32
    return %c0_i32, %c0_i32_0 : i32, i32
  }
  func.func @transform_2(%arg0: i32, %arg1: i32) -> (i32, i32) {
    %c0_i32 = arith.constant 0 : i32
    %c0_i32_0 = arith.constant 0 : i32
    %c0_i32_1 = arith.constant 0 : i32
    return %c0_i32, %c0_i32_0 : i32, i32
  }
  func.func @transform_3(%arg0: i32, %arg1: i32) -> (i32, i32) {
    %c0_i32 = arith.constant 0 : i32
    %c0_i32_0 = arith.constant 0 : i32
    %c0_i32_1 = arith.constant 0 : i32
    return %c0_i32, %c0_i32_0 : i32, i32
  }
  func.func @transform_4(%arg0: i32, %arg1: i32) -> (i32, i32) {
    %c0_i32 = arith.constant 0 : i32
    %c0_i32_0 = arith.constant 0 : i32
    %c0_i32_1 = arith.constant 0 : i32
    return %c0_i32, %c0_i32_0 : i32, i32
  }
  func.func @transform_5(%arg0: i32, %arg1: i32) -> (i32, i32) {
    %c0_i32 = arith.constant 0 : i32
    %c0_i32_0 = arith.constant 0 : i32
    %c0_i32_1 = arith.constant 0 : i32
    return %c0_i32, %c0_i32_0 : i32, i32
  }
  func.func @transform_6(%arg0: i32, %arg1: i32) -> (i32, i32) {
    %c0_i32 = arith.constant 0 : i32
    %c0_i32_0 = arith.constant 0 : i32
    %c0_i32_1 = arith.constant 0 : i32
    return %c0_i32, %c0_i32_0 : i32, i32
  }
  func.func @transform_7(%arg0: i32, %arg1: i32) -> (i32, i32, i32) {
    %c0_i32 = arith.constant 0 : i32
    %c0_i32_0 = arith.constant 0 : i32
    return %arg0, %c0_i32, %arg1 : i32, i32, i32
  }
  func.func @transform_8(%arg0: i32, %arg1: i32) -> (i32, i32, i32) {
    %c0_i32 = arith.constant 0 : i32
    %c0_i32_0 = arith.constant 0 : i32
    return %arg0, %c0_i32, %arg1 : i32, i32, i32
  }
}

</mosaic_0001>

<sc_bundles>
// kernel: _run.4.cloned.1.call-start
scs
__scs_entry_jumppad:
0x0: {  	(pc) =	sbr.rel $0x88, $3  }
0x1: {  	(tag) =	ssettag $0x0;
	lr =	simm.s32 $0x1  }
0x2: {  	[smem:$0x3F9A] =	sst lr;
	_ =	strace $0xD0000000  }
0x3: {  	_ = 	snop  }
0x4: {  	_ = 	snop  }
0x5: {  	_ = 	snop  }
0x6: {  	_ = 	snop  }
0x7: {  	_ = 	snop  }
__scs_overlays_trampoline_lowered:
0x8: {  	[smem:$0x3FA9] =	sst s0  }
0x9: {  	[smem:$0x3FAA] =	sst s1  }
0xa: {  	[smem:$0x3FAB] =	sst s2  }
0xb: {  	[smem:$0x3FAC] =	sst s3  }
0xc: {  	[smem:$0x3FAD] =	sst s4  }
0xd: {  	[smem:$0x3FAE] =	sst s5  }
0xe: {  	[smem:$0x3FAF] =	sst s6  }
0xf: {  	[smem:$0x3FB0] =	sst s7  }
0x10: {  	[smem:$0x3FB1] =	sst s8  }
0x11: {  	[smem:$0x3FB2] =	sst s9;
	s0 =	simm.s32 @!p0 $0x0  }
0x12: {  	s1 =	sld [smem:$0x3F98];
	s0 =	simm.s32 @p0 $0x1  }
0x13: {  	[smem:$0x3FB3] =	sst s0;
	s0 =	simm.s32 @!p1 $0x0  }
0x14: {  	s2 =	sld [smem:$0x3F97];
	s0 =	simm.s32 @p1 $0x1  }
0x15: {  	[smem:$0x3FB4] =	sst s0;
	s0 =	simm.s32 @!p2 $0x0  }
0x16: {  	s3 =	sld [smem:$0x3FDB];
	s0 =	simm.s32 @p2 $0x1  }
0x17: {  	s4 =	simm.s32 $0x1BF5;
	[smem:$0x3FB6] =	sst s0  }
0x18: {  	s0 =	sld [smem:$0x3F99];
	_ =	swait.ge [sflag:s4], $0x0  }
0x19: {  	s7 =	sld [smem:$0x3F9A]  }
0x1a: {  	s8 =	sadd.s32 $0xFFFFE003, lr  }
0x1b: {  	s9 =	sadd.s32 $0xFFFFFEF7, lr;
	s5 =	simm.s32 $0xFFFFFFFF;
	p2 =	slt.u32 s8, $0xFFFFF086  }
0x1c: {  	p1 =	slt.u32 s9, $0xF7A;
	s5 =	simm.s32 @!p2 $0x0  }
0x1d: {  	s5 =	simm.s32 @p1 $0x1;
	p0 =	seq.s32 s7, s2  }
0x1e: {  	s7 =	smul.u32 @!p0 $0xF7A, s2;
	p2 =	seq.s32 @!p0 s5, $0x0  }
0x1f: {  	s9 =	smul.u32 $0xF7A, s1;
	s8 =	simm.s32 @!p0 $0x1BF5;
	p2 =	por !p2, p0  }
0x20: {  	[sflag:s8] =	ssyncset.s32 @!p0 $0xFFFFF086;
	s6 =	sadd.s32 @!p0 s3, s7;
	s7 =	simm.s32 @!p0 $0x108  }
0x21: {  	s3 =	sadd.s32 s3, s9;
	s6 =	sadd.s32 @!p0 $0x88, s6;
	s7 =	simm.s32 @p2 $0x1082  }
0x22: {  	[simem:s7], [sflag:s8] =	dma.local @!p0 [hbm:s6], $0xF7A  }
0x23: {  	s9 =	sor.u32 $0xD0000000, s2;
	s6 =	simm.s32 $0x108;
	_ =	swait.ge @!p0 [sflag:s8], $0x0  }
0x24: {  	s3 =	sadd.s32 $0x88, s3;
	s6 =	simm.s32 @!p1 $0x1082;
	[sflag:s4] =	ssyncset.s32 $0xFFFFF086  }
0x25: {  	[simem:s6], [sflag:s4] =	dma.local [hbm:s3], $0xF7A  }
0x26: {  	[smem:$0x3F9A] =	sst s1;
	(tag) =	ssettag s2;
	_ =	strace s9  }
0x27: {  	s1 =	sld [smem:$0x3FAA]  }
0x28: {  	s2 =	sld [smem:$0x3FAB]  }
0x29: {  	s4 =	sld [smem:$0x3FAD]  }
0x2a: {  	p0 =	seq.s32 s5, $0x0;
	s5 =	sld [smem:$0x3FAE]  }
0x2b: {  	s6 =	sld [smem:$0x3FAF]  }
0x2c: {  	s7 =	sld [smem:$0x3FB0]  }
0x2d: {  	s3 =	simm.s32 $0x108;
	s8 =	sld [smem:$0x3FB1]  }
0x2e: {  	s3 =	simm.s32 @!p0 $0x1082;
	s9 =	sld [smem:$0x3FB2]  }
0x2f: {  	lr =	sadd.s32 s0, s3;
	s0 =	sld [smem:$0x3FA9]  }
0x30: {  	s3 =	sld [smem:$0x3FAC]  }
0x31: {  	[smem:$0x3FB5] =	sst s10  }
0x32: {  	s10 =	sld [smem:$0x3FB3];
	_ =	sdelay $0x3  }
0x33: {  	p0 =	seq.s32 s10, $0x1;
	s10 =	sld [smem:$0x3FB5];
	_ =	sdelay $0x3  }
0x34: {  	[smem:$0x3FB5] =	sst s10  }
0x35: {  	s10 =	sld [smem:$0x3FB4];
	_ =	sdelay $0x3  }
0x36: {  	p1 =	seq.s32 s10, $0x1;
	s10 =	sld [smem:$0x3FB5];
	_ =	sdelay $0x3  }
0x37: {  	[smem:$0x3FB5] =	sst s10  }
0x38: {  	s10 =	sld [smem:$0x3FB6]  }
0x39: {  	_ = 	snop;
	(pc) =	sbr.ind lr, $3  }
0x3a: {  	_ = 	snop  }
0x3b: {  	_ = 	snop  }
0x3c: {  	p2 =	seq.s32 s10, $0x1;
	s10 =	sld [smem:$0x3FB5]  }
0x3d: {  	_ =	shalt  }
0x3e: {  	_ =	shalt  }
0x3f: {  	_ =	shalt  }
0x40: {  	_ =	shalt  }
0x41: {  	_ =	shalt  }
0x42: {  	_ =	shalt  }
0x43: {  	_ =	shalt  }
0x44: {  	_ =	shalt  }
0x45: {  	_ =	shalt  }
0x46: {  	_ =	shalt  }
0x47: {  	_ =	shalt  }
0x48: {  	_ =	shalt  }
0x49: {  	_ =	shalt  }
0x4a: {  	_ =	shalt  }
0x4b: {  	_ =	shalt  }
0x4c: {  	_ =	shalt  }
0x4d: {  	_ =	shalt  }
0x4e: {  	_ =	shalt  }
0x4f: {  	_ =	shalt  }
0x50: {  	_ =	shalt  }
0x51: {  	_ =	shalt  }
0x52: {  	_ =	shalt  }
0x53: {  	_ =	shalt  }
0x54: {  	_ =	shalt  }
0x55: {  	_ =	shalt  }
0x56: {  	_ =	shalt  }
0x57: {  	_ =	shalt  }
0x58: {  	_ =	shalt  }
0x59: {  	_ =	shalt  }
0x5a: {  	_ =	shalt  }
0x5b: {  	_ =	shalt  }
0x5c: {  	_ =	shalt  }
0x5d: {  	_ =	shalt  }
0x5e: {  	_ =	shalt  }
0x5f: {  	_ =	shalt  }
0x60: {  	_ =	shalt  }
0x61: {  	_ =	shalt  }
0x62: {  	_ =	shalt  }
0x63: {  	_ =	shalt  }
0x64: {  	_ =	shalt  }
0x65: {  	_ =	shalt  }
0x66: {  	_ =	shalt  }
0x67: {  	_ =	shalt  }
0x68: {  	_ =	shalt  }
0x69: {  	_ =	shalt  }
0x6a: {  	_ =	shalt  }
0x6b: {  	_ =	shalt  }
0x6c: {  	_ =	shalt  }
0x6d: {  	_ =	shalt  }
0x6e: {  	_ =	shalt  }
0x6f: {  	_ =	shalt  }
0x70: {  	_ =	shalt  }
0x71: {  	_ =	shalt  }
0x72: {  	_ =	shalt  }
0x73: {  	_ =	shalt  }
0x74: {  	_ =	shalt  }
0x75: {  	_ =	shalt  }
0x76: {  	_ =	shalt  }
0x77: {  	_ =	shalt  }
0x78: {  	_ =	shalt  }
0x79: {  	_ =	shalt  }
0x7a: {  	_ =	shalt  }
0x7b: {  	_ =	shalt  }
0x7c: {  	_ =	shalt  }
0x7d: {  	_ =	shalt  }
0x7e: {  	_ =	shalt  }
0x7f: {  	_ =	shalt  }
0x80: {  	_ =	shalt  }
0x81: {  	_ =	shalt  }
0x82: {  	_ =	shalt  }
0x83: {  	_ =	shalt  }
0x84: {  	_ =	shalt  }
0x85: {  	_ =	shalt  }
0x86: {  	_ =	shalt  }
0x87: {  	_ =	shalt  }
.Lfunc_end0:
.L_simem_size_0:
called_computation.1_lowered:
.L_overlay_start_0:
0x88: {  	s2 =	sld [smem:$0x3FD9]  }
0x89: {  	s3 =	sld [smem:$0x3FFE];
	_ =	sdelay $0x1  }
0x8a: {  	s1 =	srdreg.scid  }
0x8b: {  	s0 =	sand.u32 $0x1, s1  }
0x8c: {  	s17 =	sshll.u32 s0, $0xA;
	s2 =	sadd.s32 s3, s2  }
0x8d: {  	s2 =	sadd.s32 s2, s17  }
0x8e: {  	[smem:$0x3FC1] =	sst s2  }
0x8f: {  	_ = 	snop  }
0x90: {  	s2 =	sld [smem:$0x3FD0];
	(tm) =	ssettm $0x1  }
0x91: {  	s18 =	sld [smem:$0x3FFB];
	_ =	sdelay $0x3  }
0x92: {  	_ =	strace s18  }
0x93: {  	s3 =	sld [smem:$0x3FFC];
	_ =	sdelay $0x3  }
0x94: {  	_ =	strace s3  }
0x95: {  	s3 =	sld [smem:$0x3FFD];
	_ =	sdelay $0x3  }
0x96: {  	_ =	strace s3  }
0x97: {  	_ =	strace $0x8FFFFFFF  }
0x98: {  	s19 =	sld [smem:$0x3FDB];
	_ =	sdelay $0x1  }
0x99: {  	s4 =	simm.s32 $_scs_section_size  }
0x9a: {  	s5 =	simm.s32 $_size__tile_overlayer_lowered;
	s6 =	simm.s32 $_tile_overlayer_lowered  }
0x9b: {  	s22 =	simm.s32 $0x1BFF;
	s21 =	sshll.u32 s6, $0x1;
	s3 =	sadd.s32 s4, s19  }
0x9c: {  	s7 =	simm.s32 $0x0;
	s20 =	sshll.u32 s5, $0x1;
	s5 =	sadd.s32 s21, s3  }
0x9d: {  	[timem:s7], [sflag:s22] =	dma.local [hbm:s5], s20  }
0x9e: {  	_ =	swait.ge [sflag:s22], s20  }
0x9f: {  	s4 =	ssub.s32 $0x0, s20;
	[sflag:s22] =	ssyncset.done $0x0  }
0xa0: {  	[sflag:s22] =	ssyncadd.s32 s4;
	_ =	sdelay $0x1  }
0xa1: {  	s23 =	simm.s32 $0x1B8B  }
0xa2: {  	_ =	swait.ge [sflag:s23], $0x1  }
0xa3: {  	[sflag:s23] =	ssyncset.done $0x0  }
0xa4: {  	s25 =	simm.s32 $0x1B8E;
	s24 =	sld [smem:$0x3FFE];
	[sflag:s23] =	ssyncadd.s32 $0xFFFFFFFF  }
0xa5: {  	s26 =	simm.s32 $execute0_lowered;
	[smem:$0x3FD2] =	sst s25  }
0xa6: {  	s5 =	sshll.u32 s26, $0x1;
	_ =	strace $0x80000046;
	[dreg:$0x1] =	wrdreg $0xFFFFFFFF  }
0xa7: {  	s28 =	simm.s32 $_size_execute0_lowered;
	s3 =	sadd.s32 s3, s5;
	[dreg:$0x0] =	wrdreg $0x0  }
0xa8: {  	s5 =	sshll.u32 s28, $0x1;
	[dreg:$0x2] =	wrdreg s3  }
0xa9: {  	[dreg:$0x3] =	wrdreg s5  }
0xaa: {  	[dreg:$0x4] =	wrdreg $0xC0  }
0xab: {  	_ =	task [dreg:s7], $0x5FFFF  }
0xac: {  	[dreg:$0x1] =	wrdreg $0xFFFFFFFF  }
0xad: {  	[dreg:$0x0] =	wrdreg $0x60  }
0xae: {  	[dreg:$0x2] =	wrdreg s24  }
0xaf: {  	[dreg:$0x3] =	wrdreg s2  }
0xb0: {  	[dreg:$0x4] =	wrdreg $0x0  }
0xb1: {  	[dreg:$0x5] =	wrdreg $0x9  }
0xb2: {  	_ =	task.clear_ibuf [dreg:s7], $0x6FFFF;
	_ =	strace $0x90000046  }
0xb3: {  	s29 =	simm.s32 $0x9;
	_ =	strace $0x80000048  }
0xb4: {  	_ =	swait.ge [sflag:s29], $0x1  }
0xb5: {  	[sflag:s29] =	ssyncadd.s32 $0xFFFFFFFF  }
0xb6: {  	_ =	strace $0x90000048  }
0xb7: {  	_ =	sfence  }
0xb8: {  	s30 =	sld [smem:$0x0];
	_ =	sdelay $0x2  }
0xb9: {  	s31 =	sshll.u32 s1, $0xD;
	s1 =	sshrl.u32 s1, $0x2  }
0xba: {  	s3 =	sand.u32 $0x4000, s31;
	s1 =	sadd.s32 s1, s30  }
0xbb: {  	s0 =	sor.u32 s3, s0;
	s1 =	sshll.u32 s1, $0x11  }
0xbc: {  	s0 =	sor.u32 s1, s0  }
0xbd: {  	s0 =	sadd.s32 $0x8F2B, s0  }
0xbe: {  	[sflag:s0] =	ssyncadd.remote.s32 $0x1  }
0xbf: {  	_ =	sfence.sel $0xFFFF  }
0xc0: {  	[dreg:$0x0] =	wrdreg $0xFFFFFFFF;
	(pc) =	sbr.abs _section_cstart, $3  }
0xc1: {  	[dreg:$0x1] =	wrdreg $0xFFFFFFFF  }
0xc2: {  	_ =	task.clear_ibuf [dreg:s7], $0x2FFFF;
	_ =	strace $0x9FFFFFFF  }
0xc3: {  	(tm) =	ssettm $0x7FFFFFFF  }
tec
execute0_lowered:
.L_overlay_start_1:
0x0: {  	(tag) =	ssettag $0x1  }
0x1: {  	s0 =	rddreg [dreg:$0x0]  }
0x2: {  	s1 =	srdreg.scid;
	s3 =	rddreg [dreg:$0x2]  }
0x3: {  	s7 =	stileid.u32;
	s4 =	simm.s32 $0x0;
	s11 =	simm.s32 $0xE080  }
0x4: {  	s13 =	simm.s32 $0xE880;
	s15 =	simm.s32 $0xE100;
	[smem:$0x7FF] =	sst s4  }
0x5: {  	s17 =	simm.s32 $0xE900;
	_ =	strace $0x80000047;
	[dreg:$0x4] =	wrdreg s11  }
0x6: {  	s19 =	simm.s32 $0xE180;
	s21 =	simm.s32 $0xE980;
	[dreg:$0x5] =	wrdreg s13  }
0x7: {  	s28 =	simm.s32 $0x80;
	s29 =	simm.s32 $0xEB00;
	[dreg:$0x6] =	wrdreg s15  }
0x8: {  	s30 =	simm.s32 $0xE380;
	s5 =	smul.u32 $0x30000, s7;
	[dreg:$0x7] =	wrdreg s17  }
0x9: {  	s1 =	sand.u32 $0x1, s1;
	s8 =	smul.u32 $0xBDD8, s7;
	[dreg:$0x8] =	wrdreg s19  }
0xa: {  	s31 =	simm.s32 $0xEB80;
	s2 =	smul.u32 $0x120000, s1;
	[dreg:$0x9] =	wrdreg s21  }
0xb: {  	s6 =	ssub.s32 $0x2, s1;
	s1 =	sshll.u32 s1, $0x3;
	[dreg:$0xf] =	wrdreg s8  }
0xc: {  	s20 =	smul.u32 $0x2400, s7;
	s23 =	sadd.s32 s8, s3;
	[dreg:$0x11] =	wrdreg s1  }
0xd: {  	s7 =	simm.s32 $0xE580;
	s24 =	sadd.s32 $0x2000, s23;
	[dreg:$0x10] =	wrdreg s23  }
0xe: {  	s21 =	simm.s32 $0xEC80;
	s25 =	sadd.s32 $0x4000, s23;
	[dreg:$0x13] =	wrdreg s24  }
0xf: {  	s11 =	simm.s32 $0xEE80;
	s26 =	sadd.s32 $0x6000, s23;
	[dreg:$0x14] =	wrdreg s25  }
0x10: {  	s22 =	sshrl.u32 s6, $0x1;
	s8 =	sadd.s32 $0x8000, s23;
	[dreg:$0x15] =	wrdreg s26  }
0x11: {  	s5 =	sshrl.u32 s5, $0x2;
	s9 =	sadd.s32 $0xA000, s23;
	[dreg:$0x16] =	wrdreg s8  }
0x12: {  	s0 =	sadd.s32 s2, s0;
	s5 =	sadd.s32 s5, s3;
	[dreg:$0x17] =	wrdreg s9  }
0x13: {  	s2 =	ssub.s32 s6, s22;
	s22 =	simm.s32 $0xE200;
	[dreg:$0x12] =	wrdreg s5  }
0x14: {  	s13 =	simm.s32 $0xEF00;
	s23 =	simm.s32 $0xEA00;
	[dreg:$0xa] =	wrdreg s22  }
0x15: {  	s15 =	simm.s32 $0xE780;
	s10 =	smax.u32 s2, $0x1;
	[dreg:$0xb] =	wrdreg s23  }
0x16: {  	s1 =	simm.s32 $0x0;
	s12 =	sadd.s32 $0x2000, s5;
	[dreg:$0x18] =	wrdreg s10  }
0x17: {  	s6 =	simm.s32 $0xED80;
	s14 =	sadd.s32 $0x4000, s5;
	[dreg:$0x19] =	wrdreg s12  }
0x18: {  	s16 =	sadd.s32 $0x6000, s5;
	s18 =	sadd.s32 $0x8000, s5;
	[dreg:$0x1a] =	wrdreg s14  }
0x19: {  	s5 =	sadd.s32 $0xA000, s5;
	s0 =	sadd.s32 s20, s0;
	[dreg:$0x1b] =	wrdreg s16  }
0x1a: {  	s24 =	simm.s32 $0xE280;
	s25 =	simm.s32 $0xEA80;
	[dreg:$0x1c] =	wrdreg s18  }
0x1b: {  	s26 =	simm.s32 $0xE300;
	s22 =	simm.s32 $0x2;
	[dreg:$0x1d] =	wrdreg s5  }
0x1c: {  	s20 =	simm.s32 $0xE480;
	s9 =	simm.s32 $0xE600;
	[dreg:$0xc] =	wrdreg s24  }
0x1d: {  	s8 =	simm.s32 $0xE680;
	s2 =	sadd.s32 $0x1200, s0;
	[dreg:$0xd] =	wrdreg s25  }
0x1e: {  	s0 =	sadd.s32 $0x801400, s0;
	s24 =	simm.s32 $0xE000;
	[dreg:$0xe] =	wrdreg s26  }
0x1f: {  	s25 =	simm.s32 $0xE800;
	s26 =	simm.s32 $0x1;
	s14 =	simm.s32 $0xEC00  }
0x20: {  	s5 =	simm.s32 $0xED00;
	s10 =	simm.s32 $0xEE00;
	[dreg:$0x1e] =	wrdreg s2  }
0x21: {  	v0 =	vimm.f32 $0.0e+00;
	s12 =	simm.s32 $0xE700;
	[dreg:$0x1f] =	wrdreg s0;
	s2 =	simm.s32 $0xEF80  }
.LBB2_1:
0x22: {  	[smem:$0x7FD] =	sst s1;
	s17 =	simm.s32 $0x40;
	s18 =	simm.s32 $0x0  }
.LBB2_2:
0x23: {  	p0 =	sne.s32 s17, $0x7FC0;
	[tilespmem:s18+$0xC000] =	vst v0;
	s18 =	smov.u32 s17;
	s17 =	sadd.s32 $0x40, s17  }
.Ltmp0:
0x24: {  	(pc) =	sbr.rel @p0 .LBB2_2-.Ltmp0, $2  }
0x25: {  	_ =	sdelay $0x2  }
0x26: {  	s18 =	sshra.s32 s18, $0x2  }
0x27: {  	[tilespmem:s18+$0xC000] =	vst v0;
	s18 =	rddreg [dreg:$0x1f]  }
0x28: {  	s0 =	simm.s32 $0x0;
	s19 =	rddreg [dreg:$0x1e]  }
.LBB2_4:
0x29: {  	[smem:$0x7FB] =	sst s0  }
0x2a: {  	s23 =	rddreg [dreg:$0x12];
	s16 =	simm.s32 $0xC000  }
0x2b: {  	[spmem:s23] =	stream.linear.scatter [tilespmem:s16], [sflag:$0x2], $0x2000, $0x38;
	[tilespmem:$0x11000] =	vst v63  }
0x2c: {  	_ =	swait.ge [sflag:s22], $0x2000  }
0x2d: {  	[sflag:s22] =	ssyncset.done $0x0  }
0x2e: {  	s1 =	rddreg [dreg:$0x19];
	[sflag:s22] =	ssyncadd.s32 $0xFFFFE000  }
0x2f: {  	[spmem:s1] =	stream.linear.scatter [tilespmem:s16], [sflag:$0x2], $0x2000, $0x38;
	[tilespmem:$0x11000] =	vst v63  }
0x30: {  	_ =	swait.ge [sflag:s22], $0x2000  }
0x31: {  	[sflag:s22] =	ssyncset.done $0x0  }
0x32: {  	s17 =	rddreg [dreg:$0x1a];
	[sflag:s22] =	ssyncadd.s32 $0xFFFFE000  }
0x33: {  	[spmem:s17] =	stream.linear.scatter [tilespmem:s16], [sflag:$0x2], $0x2000, $0x38;
	[tilespmem:$0x11000] =	vst v63  }
0x34: {  	_ =	swait.ge [sflag:s22], $0x2000  }
0x35: {  	[sflag:s22] =	ssyncset.done $0x0  }
0x36: {  	s23 =	rddreg [dreg:$0x1b];
	[sflag:s22] =	ssyncadd.s32 $0xFFFFE000  }
0x37: {  	[spmem:s23] =	stream.linear.scatter [tilespmem:s16], [sflag:$0x2], $0x2000, $0x38;
	[tilespmem:$0x11000] =	vst v63  }
0x38: {  	_ =	swait.ge [sflag:s22], $0x2000  }
0x39: {  	[sflag:s22] =	ssyncset.done $0x0  }
0x3a: {  	s1 =	rddreg [dreg:$0x1c];
	[sflag:s22] =	ssyncadd.s32 $0xFFFFE000  }
0x3b: {  	[spmem:s1] =	stream.linear.scatter [tilespmem:s16], [sflag:$0x2], $0x2000, $0x38;
	[tilespmem:$0x11000] =	vst v63  }
0x3c: {  	_ =	swait.ge [sflag:s22], $0x2000  }
0x3d: {  	[sflag:s22] =	ssyncset.done $0x0  }
0x3e: {  	s17 =	rddreg [dreg:$0x1d];
	[sflag:s22] =	ssyncadd.s32 $0xFFFFE000  }
0x3f: {  	[spmem:s17] =	stream.linear.scatter [tilespmem:s16], [sflag:$0x2], $0x2000, $0x38;
	[tilespmem:$0x11000] =	vst v63  }
0x40: {  	_ =	swait.ge [sflag:s22], $0x2000  }
0x41: {  	[sflag:s22] =	ssyncset.done $0x0  }
0x42: {  	[sflag:s22] =	ssyncadd.s32 $0xFFFFE000  }
0x43: {  	s23 =	sadd.s32 $0x0, s18;
	[bflag:$0x0] =	sbarrier.arrive $0xFFFF  }
0x44: {  	[tilespmem:s24], [sflag:$0x1] =	stream.linear.gather [hbm4b:s23+s4], $0x800, $0x38;
	[tilespmem:$0x11000] =	vst v63  }
0x45: {  	s0 =	sadd.s32 $0x0, s19  }
0x46: {  	[tilespmem:s25], [sflag:$0x1] =	stream.linear.gather [hbm4b:s0+s4], $0x800, $0x38;
	[tilespmem:$0x11000] =	vst v63  }
0x47: {  	_ =	swait.ge [sflag:s26], $0x800  }
0x48: {  	[sflag:s26] =	ssyncset.done $0x0  }
0x49: {  	[sflag:s26] =	ssyncadd.s32 $0xFFFFF800  }
0x4a: {  	_ =	swait.ge [sflag:s26], $0x800  }
0x4b: {  	s22 =	rddreg [dreg:$0x6]  }
0x4c: {  	s1 =	rddreg [dreg:$0x4]  }
0x4d: {  	[sflag:s26] =	ssyncset.done $0x0;
	s17 =	rddreg [dreg:$0x5]  }
0x4e: {  	s23 =	rddreg [dreg:$0x7];
	[sflag:s26] =	ssyncadd.s32 $0xFFFFF800  }
0x4f: {  	[spmem:s3] =	stream.indirect.scatter.add.f32 [tilespmem:s25], [sflag:$0x1], $0x1, s24, s28, $0xb8;
	[tilespmem:$0x11000] =	vst v63  }
0x50: {  	s0 =	rddreg [dreg:$0x8]  }
0x51: {  	[spmem:s3] =	stream.indirect.scatter.add.f32 [tilespmem:s17], [sflag:$0x1], $0x1, s1, s28, $0xb8;
	[tilespmem:$0x11000] =	vst v63  }
0x52: {  	s1 =	rddreg [dreg:$0x9]  }
0x53: {  	[spmem:s3] =	stream.indirect.scatter.add.f32 [tilespmem:s23], [sflag:$0x1], $0x1, s22, s28, $0xb8;
	[tilespmem:$0x11000] =	vst v63  }
0x54: {  	s22 =	rddreg [dreg:$0xb]  }
0x55: {  	s23 =	rddreg [dreg:$0xa]  }
0x56: {  	[spmem:s3] =	stream.indirect.scatter.add.f32 [tilespmem:s1], [sflag:$0x1], $0x1, s0, s28, $0xb8;
	[tilespmem:$0x11000] =	vst v63  }
0x57: {  	s0 =	rddreg [dreg:$0xd]  }
0x58: {  	[spmem:s3] =	stream.indirect.scatter.add.f32 [tilespmem:s22], [sflag:$0x1], $0x1, s23, s28, $0xb8;
	[tilespmem:$0x11000] =	vst v63  }
0x59: {  	s1 =	rddreg [dreg:$0xc]  }
0x5a: {  	[spmem:s3] =	stream.indirect.scatter.add.f32 [tilespmem:s0], [sflag:$0x1], $0x1, s1, s28, $0xb8;
	[tilespmem:$0x11000] =	vst v63  }
0x5b: {  	s23 =	rddreg [dreg:$0xe]  }
0x5c: {  	[spmem:s3] =	stream.indirect.scatter.add.f32 [tilespmem:s29], [sflag:$0x1], $0x1, s23, s28, $0xb8;
	[tilespmem:$0x11000] =	vst v63  }
0x5d: {  	_ = 	snop  }
0x5e: {  	[spmem:s3] =	stream.indirect.scatter.add.f32 [tilespmem:s31], [sflag:$0x1], $0x1, s30, s28, $0xb8;
	[tilespmem:$0x11000] =	vst v63  }
0x5f: {  	s1 =	simm.s32 $0xEC00;
	s29 =	simm.s32 $0xE400  }
0x60: {  	[spmem:s3] =	stream.indirect.scatter.add.f32 [tilespmem:s1], [sflag:$0x1], $0x1, s29, s28, $0xb8;
	[tilespmem:$0x11000] =	vst v63  }
0x61: {  	_ = 	snop  }
0x62: {  	[spmem:s3] =	stream.indirect.scatter.add.f32 [tilespmem:s21], [sflag:$0x1], $0x1, s20, s28, $0xb8;
	[tilespmem:$0x11000] =	vst v63  }
0x63: {  	s1 =	simm.s32 $0xE500  }
0x64: {  	[spmem:s3] =	stream.indirect.scatter.add.f32 [tilespmem:s5], [sflag:$0x1], $0x1, s1, s28, $0xb8;
	[tilespmem:$0x11000] =	vst v63  }
0x65: {  	_ = 	snop  }
0x66: {  	[spmem:s3] =	stream.indirect.scatter.add.f32 [tilespmem:s6], [sflag:$0x1], $0x1, s7, s28, $0xb8;
	[tilespmem:$0x11000] =	vst v63  }
0x67: {  	_ = 	snop  }
0x68: {  	[spmem:s3] =	stream.indirect.scatter.add.f32 [tilespmem:s10], [sflag:$0x1], $0x1, s9, s28, $0xb8;
	[tilespmem:$0x11000] =	vst v63  }
0x69: {  	_ = 	snop  }
0x6a: {  	[spmem:s3] =	stream.indirect.scatter.add.f32 [tilespmem:s11], [sflag:$0x1], $0x1, s8, s28, $0xb8;
	[tilespmem:$0x11000] =	vst v63  }
0x6b: {  	_ = 	snop  }
0x6c: {  	[spmem:s3] =	stream.indirect.scatter.add.f32 [tilespmem:s13], [sflag:$0x1], $0x1, s12, s28, $0xb8;
	[tilespmem:$0x11000] =	vst v63  }
0x6d: {  	_ = 	snop  }
0x6e: {  	[spmem:s3] =	stream.indirect.scatter.add.f32 [tilespmem:s2], [sflag:$0x1], $0x1, s15, s28, $0xb8;
	[tilespmem:$0x11000] =	vst v63  }
0x6f: {  	_ =	swait.ge [sflag:s26], $0x80  }
0x70: {  	[sflag:s26] =	ssyncset.done $0x0  }
0x71: {  	[sflag:s26] =	ssyncadd.s32 $0xFFFFFF80  }
0x72: {  	_ =	swait.ge [sflag:s26], $0x80  }
0x73: {  	[sflag:s26] =	ssyncset.done $0x0  }
0x74: {  	[sflag:s26] =	ssyncadd.s32 $0xFFFFFF80  }
0x75: {  	_ =	swait.ge [sflag:s26], $0x80  }
0x76: {  	[sflag:s26] =	ssyncset.done $0x0  }
0x77: {  	[sflag:s26] =	ssyncadd.s32 $0xFFFFFF80  }
0x78: {  	_ =	swait.ge [sflag:s26], $0x80  }
0x79: {  	[sflag:s26] =	ssyncset.done $0x0  }
0x7a: {  	[sflag:s26] =	ssyncadd.s32 $0xFFFFFF80  }
0x7b: {  	_ =	swait.ge [sflag:s26], $0x80  }
0x7c: {  	[sflag:s26] =	ssyncset.done $0x0  }
0x7d: {  	[sflag:s26] =	ssyncadd.s32 $0xFFFFFF80  }
0x7e: {  	_ =	swait.ge [sflag:s26], $0x80  }
0x7f: {  	[sflag:s26] =	ssyncset.done $0x0  }
0x80: {  	[sflag:s26] =	ssyncadd.s32 $0xFFFFFF80  }
0x81: {  	_ =	swait.ge [sflag:s26], $0x80  }
0x82: {  	[sflag:s26] =	ssyncset.done $0x0  }
0x83: {  	[sflag:s26] =	ssyncadd.s32 $0xFFFFFF80  }
0x84: {  	_ =	swait.ge [sflag:s26], $0x80  }
0x85: {  	[sflag:s26] =	ssyncset.done $0x0  }
0x86: {  	[sflag:s26] =	ssyncadd.s32 $0xFFFFFF80  }
0x87: {  	_ =	swait.ge [sflag:s26], $0x80  }
0x88: {  	[sflag:s26] =	ssyncset.done $0x0  }
0x89: {  	[sflag:s26] =	ssyncadd.s32 $0xFFFFFF80  }
0x8a: {  	_ =	swait.ge [sflag:s26], $0x80  }
0x8b: {  	[sflag:s26] =	ssyncset.done $0x0  }
0x8c: {  	[sflag:s26] =	ssyncadd.s32 $0xFFFFFF80  }
0x8d: {  	_ =	swait.ge [sflag:s26], $0x80  }
0x8e: {  	[sflag:s26] =	ssyncset.done $0x0  }
0x8f: {  	[sflag:s26] =	ssyncadd.s32 $0xFFFFFF80  }
0x90: {  	_ =	swait.ge [sflag:s26], $0x80  }
0x91: {  	[sflag:s26] =	ssyncset.done $0x0  }
0x92: {  	[sflag:s26] =	ssyncadd.s32 $0xFFFFFF80  }
0x93: {  	_ =	swait.ge [sflag:s26], $0x80  }
0x94: {  	[sflag:s26] =	ssyncset.done $0x0  }
0x95: {  	[sflag:s26] =	ssyncadd.s32 $0xFFFFFF80  }
0x96: {  	_ =	swait.ge [sflag:s26], $0x80  }
0x97: {  	s31 =	sld [smem:$0x7FB];
	_ =	sdelay $0x1  }
0x98: {  	s30 =	rddreg [dreg:$0x11]  }
0x99: {  	[sflag:s26] =	ssyncset.done $0x0;
	s0 =	sadd.s32 s30, s31  }
0x9a: {  	[sflag:s26] =	ssyncadd.s32 $0xFFFFFF80;
	[smem:$0x7FC] =	sst s0  }
0x9b: {  	s22 =	simm.s32 $0x100;
	_ =	swait.ge [sflag:s26], $0x80  }
.LBB2_5:
0x9c: {  	[sflag:s26] =	ssyncset.done $0x0  }
0x9d: {  	[sflag:s26] =	ssyncadd.s32 $0xFFFFFF80  }
0x9e: {  	_ =	swait.ge [sflag:s26], $0x80  }
0x9f: {  	s16 =	smov.u32 s22;
	[sflag:s26] =	ssyncset.done $0x0  }
0xa0: {  	s17 =	sadd.s32 s16, s18;
	[sflag:s26] =	ssyncadd.s32 $0xFFFFFF80  }
0xa1: {  	[tilespmem:s24], [sflag:$0x1] =	stream.linear.gather [hbm4b:s17+s4], $0x800, $0x38;
	[tilespmem:$0x11000] =	vst v63  }
0xa2: {  	s16 =	sadd.s32 s16, s19  }
0xa3: {  	[tilespmem:s25], [sflag:$0x1] =	stream.linear.gather [hbm4b:s16+s4], $0x800, $0x38;
	[tilespmem:$0x11000] =	vst v63  }
0xa4: {  	_ =	swait.ge [sflag:s26], $0x800  }
0xa5: {  	[sflag:s26] =	ssyncset.done $0x0  }
0xa6: {  	[sflag:s26] =	ssyncadd.s32 $0xFFFFF800  }
0xa7: {  	_ =	swait.ge [sflag:s26], $0x800  }
0xa8: {  	s16 =	rddreg [dreg:$0xd]  }
0xa9: {  	s17 =	rddreg [dreg:$0xb]  }
0xaa: {  	s23 =	rddreg [dreg:$0x8]  }
0xab: {  	[sflag:s26] =	ssyncset.done $0x0;
	s29 =	rddreg [dreg:$0x6]  }
0xac: {  	s30 =	rddreg [dreg:$0x4];
	[sflag:s26] =	ssyncadd.s32 $0xFFFFF800  }
0xad: {  	[spmem:s3] =	stream.indirect.scatter.add.f32 [tilespmem:s25], [sflag:$0x1], $0x1, s24, s28, $0xb8;
	[tilespmem:$0x11000] =	vst v63  }
0xae: {  	s31 =	rddreg [dreg:$0x5]  }
0xaf: {  	[spmem:s3] =	stream.indirect.scatter.add.f32 [tilespmem:s31], [sflag:$0x1], $0x1, s30, s28, $0xb8;
	[tilespmem:$0x11000] =	vst v63  }
0xb0: {  	s0 =	rddreg [dreg:$0x7]  }
0xb1: {  	[spmem:s3] =	stream.indirect.scatter.add.f32 [tilespmem:s0], [sflag:$0x1], $0x1, s29, s28, $0xb8;
	[tilespmem:$0x11000] =	vst v63  }
0xb2: {  	s30 =	rddreg [dreg:$0x9]  }
0xb3: {  	[spmem:s3] =	stream.indirect.scatter.add.f32 [tilespmem:s30], [sflag:$0x1], $0x1, s23, s28, $0xb8;
	[tilespmem:$0x11000] =	vst v63  }
0xb4: {  	s0 =	rddreg [dreg:$0xa]  }
0xb5: {  	[spmem:s3] =	stream.indirect.scatter.add.f32 [tilespmem:s17], [sflag:$0x1], $0x1, s0, s28, $0xb8;
	[tilespmem:$0x11000] =	vst v63  }
0xb6: {  	s23 =	rddreg [dreg:$0xc]  }
0xb7: {  	[spmem:s3] =	stream.indirect.scatter.add.f32 [tilespmem:s16], [sflag:$0x1], $0x1, s23, s28, $0xb8;
	[tilespmem:$0x11000] =	vst v63  }
0xb8: {  	s29 =	simm.s32 $0xEB00;
	s17 =	rddreg [dreg:$0xe]  }
0xb9: {  	[spmem:s3] =	stream.indirect.scatter.add.f32 [tilespmem:s29], [sflag:$0x1], $0x1, s17, s28, $0xb8;
	[tilespmem:$0x11000] =	vst v63  }
0xba: {  	s31 =	simm.s32 $0xEB80;
	s30 =	simm.s32 $0xE380  }
0xbb: {  	[spmem:s3] =	stream.indirect.scatter.add.f32 [tilespmem:s31], [sflag:$0x1], $0x1, s30, s28, $0xb8;
	[tilespmem:$0x11000] =	vst v63  }
0xbc: {  	s23 =	simm.s32 $0xE400  }
0xbd: {  	[spmem:s3] =	stream.indirect.scatter.add.f32 [tilespmem:s14], [sflag:$0x1], $0x1, s23, s28, $0xb8;
	[tilespmem:$0x11000] =	vst v63  }
0xbe: {  	_ = 	snop  }
0xbf: {  	[spmem:s3] =	stream.indirect.scatter.add.f32 [tilespmem:s21], [sflag:$0x1], $0x1, s20, s28, $0xb8;
	[tilespmem:$0x11000] =	vst v63  }
0xc0: {  	_ = 	snop  }
0xc1: {  	[spmem:s3] =	stream.indirect.scatter.add.f32 [tilespmem:s5], [sflag:$0x1], $0x1, s1, s28, $0xb8;
	[tilespmem:$0x11000] =	vst v63  }
0xc2: {  	_ = 	snop  }
0xc3: {  	[spmem:s3] =	stream.indirect.scatter.add.f32 [tilespmem:s6], [sflag:$0x1], $0x1, s7, s28, $0xb8;
	[tilespmem:$0x11000] =	vst v63  }
0xc4: {  	_ = 	snop  }
0xc5: {  	[spmem:s3] =	stream.indirect.scatter.add.f32 [tilespmem:s10], [sflag:$0x1], $0x1, s9, s28, $0xb8;
	[tilespmem:$0x11000] =	vst v63  }
0xc6: {  	_ = 	snop  }
0xc7: {  	[spmem:s3] =	stream.indirect.scatter.add.f32 [tilespmem:s11], [sflag:$0x1], $0x1, s8, s28, $0xb8;
	[tilespmem:$0x11000] =	vst v63  }
0xc8: {  	_ = 	snop  }
0xc9: {  	[spmem:s3] =	stream.indirect.scatter.add.f32 [tilespmem:s13], [sflag:$0x1], $0x1, s12, s28, $0xb8;
	[tilespmem:$0x11000] =	vst v63  }
0xca: {  	_ = 	snop  }
0xcb: {  	[spmem:s3] =	stream.indirect.scatter.add.f32 [tilespmem:s2], [sflag:$0x1], $0x1, s15, s28, $0xb8;
	[tilespmem:$0x11000] =	vst v63  }
0xcc: {  	_ =	swait.ge [sflag:s26], $0x80  }
0xcd: {  	[sflag:s26] =	ssyncset.done $0x0  }
0xce: {  	[sflag:s26] =	ssyncadd.s32 $0xFFFFFF80  }
0xcf: {  	_ =	swait.ge [sflag:s26], $0x80  }
0xd0: {  	[sflag:s26] =	ssyncset.done $0x0  }
0xd1: {  	[sflag:s26] =	ssyncadd.s32 $0xFFFFFF80  }
0xd2: {  	_ =	swait.ge [sflag:s26], $0x80  }
0xd3: {  	[sflag:s26] =	ssyncset.done $0x0  }
0xd4: {  	[sflag:s26] =	ssyncadd.s32 $0xFFFFFF80  }
0xd5: {  	_ =	swait.ge [sflag:s26], $0x80  }
0xd6: {  	[sflag:s26] =	ssyncset.done $0x0  }
0xd7: {  	[sflag:s26] =	ssyncadd.s32 $0xFFFFFF80  }
0xd8: {  	_ =	swait.ge [sflag:s26], $0x80  }
0xd9: {  	[sflag:s26] =	ssyncset.done $0x0  }
0xda: {  	[sflag:s26] =	ssyncadd.s32 $0xFFFFFF80  }
0xdb: {  	_ =	swait.ge [sflag:s26], $0x80  }
0xdc: {  	[sflag:s26] =	ssyncset.done $0x0  }
0xdd: {  	[sflag:s26] =	ssyncadd.s32 $0xFFFFFF80  }
0xde: {  	_ =	swait.ge [sflag:s26], $0x80  }
0xdf: {  	[sflag:s26] =	ssyncset.done $0x0  }
0xe0: {  	[sflag:s26] =	ssyncadd.s32 $0xFFFFFF80  }
0xe1: {  	_ =	swait.ge [sflag:s26], $0x80  }
0xe2: {  	[sflag:s26] =	ssyncset.done $0x0  }
0xe3: {  	[sflag:s26] =	ssyncadd.s32 $0xFFFFFF80  }
0xe4: {  	_ =	swait.ge [sflag:s26], $0x80  }
0xe5: {  	[sflag:s26] =	ssyncset.done $0x0  }
0xe6: {  	[sflag:s26] =	ssyncadd.s32 $0xFFFFFF80  }
0xe7: {  	_ =	swait.ge [sflag:s26], $0x80  }
0xe8: {  	[sflag:s26] =	ssyncset.done $0x0  }
0xe9: {  	[sflag:s26] =	ssyncadd.s32 $0xFFFFFF80  }
0xea: {  	_ =	swait.ge [sflag:s26], $0x80  }
0xeb: {  	[sflag:s26] =	ssyncset.done $0x0  }
0xec: {  	[sflag:s26] =	ssyncadd.s32 $0xFFFFFF80  }
0xed: {  	_ =	swait.ge [sflag:s26], $0x80  }
0xee: {  	[sflag:s26] =	ssyncset.done $0x0  }
0xef: {  	[sflag:s26] =	ssyncadd.s32 $0xFFFFFF80  }
0xf0: {  	_ =	swait.ge [sflag:s26], $0x80  }
0xf1: {  	p0 =	sne.s32 s22, $0x2300;
	[sflag:s26] =	ssyncset.done $0x0  }
.Ltmp1:
0xf2: {  	[sflag:s26] =	ssyncadd.s32 $0xFFFFFF80;
	(pc) =	sbr.rel @p0 .LBB2_5-.Ltmp1, $4  }
0xf3: {  	_ =	swait.ge [sflag:s26], $0x80  }
0xf4: {  	[sflag:s26] =	ssyncset.done $0x0  }
0xf5: {  	[sflag:s26] =	ssyncadd.s32 $0xFFFFFF80  }
0xf6: {  	s22 =	sadd.s32 $0x100, s22;
	_ =	swait.ge [sflag:s26], $0x80  }
0xf7: {  	[sflag:s26] =	ssyncset.done $0x0  }
0xf8: {  	[sflag:s26] =	ssyncadd.s32 $0xFFFFFF80  }
0xf9: {  	_ =	swait.ge [sflag:s26], $0x80  }
0xfa: {  	[sflag:s26] =	ssyncset.done $0x0  }
0xfb: {  	[sflag:s26] =	ssyncadd.s32 $0xFFFFFF80  }
0xfc: {  	[bflag:$0x0] =	sbarrier.arrive $0xFFFF  }
0xfd: {  	s0 =	sld [smem:$0x7FC];
	_ =	sdelay $0x1  }
0xfe: {  	s16 =	rddreg [dreg:$0x10]  }
0xff: {  	s1 =	simm.s32 $0xF000;
	s22 =	rddreg [dreg:$0xf];
	s0 =	smul.u32 $0xBDD80, s0  }
0x100: {  	[tilespmem:s1], [sflag:$0x2] =	stream.linear.gather [spmem:s16], $0x2000, $0x38;
	[tilespmem:$0x11000] =	vst v63  }
0x101: {  	s0 =	sadd.s32 s22, s0;
	s22 =	simm.s32 $0x2  }
0x102: {  	_ =	swait.ge [sflag:s22], $0x2000  }
0x103: {  	[sflag:s22] =	ssyncset.done $0x0  }
0x104: {  	[sflag:s22] =	ssyncadd.s32 $0xFFFFE000  }
0x105: {  	s0 =	sshrl.u32 s0, $0x3;
	s23 =	rddreg [dreg:$0x1]  }
0x106: {  	s0 =	sadd.s32 s23, s0  }
0x107: {  	[hbm4b:s0+s4] =	stream.linear.scatter [tilespmem:s1], [sflag:$0x2], $0x2000, $0x38;
	[tilespmem:$0x11000] =	vst v63  }
0x108: {  	_ =	swait.ge [sflag:s22], $0x2000  }
0x109: {  	[sflag:s22] =	ssyncset.done $0x0  }
0x10a: {  	s17 =	rddreg [dreg:$0x13];
	[sflag:s22] =	ssyncadd.s32 $0xFFFFE000  }
0x10b: {  	[tilespmem:s1], [sflag:$0x2] =	stream.linear.gather [spmem:s17], $0x2000, $0x38;
	[tilespmem:$0x11000] =	vst v63  }
0x10c: {  	_ =	swait.ge [sflag:s22], $0x2000  }
0x10d: {  	[sflag:s22] =	ssyncset.done $0x0  }
0x10e: {  	s23 =	sadd.s32 $0x400, s0;
	[sflag:s22] =	ssyncadd.s32 $0xFFFFE000  }
0x10f: {  	[hbm4b:s23+s4] =	stream.linear.scatter [tilespmem:s1], [sflag:$0x2], $0x2000, $0x38;
	[tilespmem:$0x11000] =	vst v63  }
0x110: {  	_ =	swait.ge [sflag:s22], $0x2000  }
0x111: {  	[sflag:s22] =	ssyncset.done $0x0  }
0x112: {  	s17 =	rddreg [dreg:$0x14];
	[sflag:s22] =	ssyncadd.s32 $0xFFFFE000  }
0x113: {  	[tilespmem:s1], [sflag:$0x2] =	stream.linear.gather [spmem:s17], $0x2000, $0x38;
	[tilespmem:$0x11000] =	vst v63  }
0x114: {  	_ =	swait.ge [sflag:s22], $0x2000  }
0x115: {  	[sflag:s22] =	ssyncset.done $0x0  }
0x116: {  	s23 =	sadd.s32 $0x800, s0;
	[sflag:s22] =	ssyncadd.s32 $0xFFFFE000  }
0x117: {  	[hbm4b:s23+s4] =	stream.linear.scatter [tilespmem:s1], [sflag:$0x2], $0x2000, $0x38;
	[tilespmem:$0x11000] =	vst v63  }
0x118: {  	_ =	swait.ge [sflag:s22], $0x2000  }
0x119: {  	[sflag:s22] =	ssyncset.done $0x0  }
0x11a: {  	s17 =	rddreg [dreg:$0x15];
	[sflag:s22] =	ssyncadd.s32 $0xFFFFE000  }
0x11b: {  	[tilespmem:s1], [sflag:$0x2] =	stream.linear.gather [spmem:s17], $0x2000, $0x38;
	[tilespmem:$0x11000] =	vst v63  }
0x11c: {  	_ =	swait.ge [sflag:s22], $0x2000  }
0x11d: {  	[sflag:s22] =	ssyncset.done $0x0  }
0x11e: {  	s23 =	sadd.s32 $0xC00, s0;
	[sflag:s22] =	ssyncadd.s32 $0xFFFFE000  }
0x11f: {  	[hbm4b:s23+s4] =	stream.linear.scatter [tilespmem:s1], [sflag:$0x2], $0x2000, $0x38;
	[tilespmem:$0x11000] =	vst v63  }
0x120: {  	_ =	swait.ge [sflag:s22], $0x2000  }
0x121: {  	[sflag:s22] =	ssyncset.done $0x0  }
0x122: {  	s17 =	rddreg [dreg:$0x16];
	[sflag:s22] =	ssyncadd.s32 $0xFFFFE000  }
0x123: {  	[tilespmem:s1], [sflag:$0x2] =	stream.linear.gather [spmem:s17], $0x2000, $0x38;
	[tilespmem:$0x11000] =	vst v63  }
0x124: {  	_ =	swait.ge [sflag:s22], $0x2000  }
0x125: {  	[sflag:s22] =	ssyncset.done $0x0  }
0x126: {  	s23 =	sadd.s32 $0x1000, s0;
	[sflag:s22] =	ssyncadd.s32 $0xFFFFE000  }
0x127: {  	[hbm4b:s23+s4] =	stream.linear.scatter [tilespmem:s1], [sflag:$0x2], $0x2000, $0x38;
	[tilespmem:$0x11000] =	vst v63  }
0x128: {  	_ =	swait.ge [sflag:s22], $0x2000  }
0x129: {  	[sflag:s22] =	ssyncset.done $0x0  }
0x12a: {  	s17 =	rddreg [dreg:$0x17];
	[sflag:s22] =	ssyncadd.s32 $0xFFFFE000  }
0x12b: {  	[tilespmem:s1], [sflag:$0x2] =	stream.linear.gather [spmem:s17], $0x1DD8, $0x38;
	[tilespmem:$0x11000] =	vst v63  }
0x12c: {  	_ =	swait.ge [sflag:s22], $0x1DD8  }
0x12d: {  	[sflag:s22] =	ssyncset.done $0x0  }
0x12e: {  	s0 =	sadd.s32 $0x1400, s0;
	[sflag:s22] =	ssyncadd.s32 $0xFFFFE228  }
0x12f: {  	[hbm4b:s0+s4] =	stream.linear.scatter [tilespmem:s1], [sflag:$0x2], $0x1DD8, $0x38;
	[tilespmem:$0x11000] =	vst v63  }
0x130: {  	_ =	swait.ge [sflag:s22], $0x1DD8  }
0x131: {  	s23 =	sld [smem:$0x7FB];
	_ =	sdelay $0x2  }
0x132: {  	s0 =	sadd.s32 $0x1, s23  }
0x133: {  	p0 =	sne.s32 s0, $0x8  }
.Ltmp2:
0x134: {  	_ = 	snop;
	(pc) =	sbr.rel @p0 .LBB2_4-.Ltmp2, $3  }
0x135: {  	_ =	sdelay $0x1  }
0x136: {  	[sflag:s22] =	ssyncset.done $0x0  }
0x137: {  	s19 =	sadd.s32 $0x24000, s19;
	s18 =	sadd.s32 $0x24000, s18;
	[sflag:s22] =	ssyncadd.s32 $0xFFFFE228  }
0x138: {  	s1 =	sld [smem:$0x7FD];
	_ =	sdelay $0x2  }
0x139: {  	s0 =	rddreg [dreg:$0x18];
	s1 =	sadd.s32 $0x1, s1  }
0x13a: {  	p0 =	sne.s32 s1, s0  }
.Ltmp3:
0x13b: {  	_ = 	snop;
	(pc) =	sbr.rel @p0 .LBB2_1-.Ltmp3, $1  }
0x13c: {  	_ =	sdelay $0x3  }
0x13d: {  	_ =	sfence.sel $0x180000  }
0x13e: {  	[bflag:$0x0] =	sbarrier.arrive $0xFFFF  }
0x13f: {  	_ =	strace $0x90000047  }
0x140: {  	s0 =	stileid.u32;
	[bflag:$0x2] =	sbarrier.arrive $0xFFFF  }
0x141: {  	p0 =	sne.s32 s0, $0x0;
	s0 =	rddreg [dreg:$0x3]  }
0x142: {  	s0 =	sadd.s32 @!p0 $0x100000, s0  }
0x143: {  	[sflag:s0] =	ssyncadd.tile.s32 @!p0 $0x1;
	_ =	shalt  }
.Lfunc_end2:
_tile_overlayer_lowered:
.L_overlay_start_2:
0x144: {  	(tag) =	ssettag $0x2  }
0x145: {  	s0 =	rddreg [dreg:$0x0];
	s2 =	stileid.u32  }
0x146: {  	s1 =	rddreg [dreg:$0x1];
	p0 =	sne.s32 s2, $0x0  }
0x147: {  	s3 =	rddreg [dreg:$0x2];
	[bflag:$0x3] =	sbarrier.arrive $0xFFFF;
	s2 =	simm.s32 @!p0 $0x1C02  }
0x148: {  	[timem:s3], [sflag:s2] =	dma.local @!p0 [hbm:s0], s1  }
0x149: {  	s0 =	simm.s32 @!p0 $0x2  }
0x14a: {  	_ =	swait.ge @!p0 [sflag:s0], s1  }
0x14b: {  	s1 =	ssub.s32 @!p0 $0x0, s1;
	[sflag:s0] =	ssyncset.done @!p0 $0x0  }
0x14c: {  	[sflag:s0] =	ssyncadd.s32 @!p0 s1  }
0x14d: {  	[bflag:$0x3] =	sbarrier.arrive $0xFFFF  }
0x14e: {  	_ =	shalt  }

// kernel: sparse-core-data-format-call.cloned.1.call-start
scs
called_computation_lowered:
.L_overlay_start_0:
0x0: {  	s2 =	sld [smem:$0x3FD9]  }
0x1: {  	s3 =	sld [smem:$0x3FFE];
	_ =	sdelay $0x1  }
0x2: {  	s1 =	srdreg.scid  }
0x3: {  	s0 =	sand.u32 $0x1, s1  }
0x4: {  	s18 =	sshll.u32 s0, $0xA;
	s2 =	sadd.s32 s3, s2  }
0x5: {  	s2 =	sadd.s32 s2, s18  }
0x6: {  	[smem:$0x3FC1] =	sst s2  }
0x7: {  	_ = 	snop  }
0x8: {  	s2 =	sld [smem:$0x3FD0];
	(tm) =	ssettm $0x1  }
0x9: {  	s19 =	sld [smem:$0x3FFB];
	_ =	sdelay $0x3  }
0xa: {  	_ =	strace s19  }
0xb: {  	s3 =	sld [smem:$0x3FFC];
	_ =	sdelay $0x3  }
0xc: {  	_ =	strace s3  }
0xd: {  	s3 =	sld [smem:$0x3FFD];
	_ =	sdelay $0x3  }
0xe: {  	_ =	strace s3  }
0xf: {  	_ =	strace $0x8FFFFFFF  }
0x10: {  	s20 =	sld [smem:$0x3FDB];
	_ =	sdelay $0x1  }
0x11: {  	s4 =	simm.s32 $_scs_section_size  }
0x12: {  	s5 =	simm.s32 $_size__tile_overlayer_lowered;
	s6 =	simm.s32 $_tile_overlayer_lowered  }
0x13: {  	s23 =	simm.s32 $0x1BFF;
	s22 =	sshll.u32 s6, $0x1;
	s3 =	sadd.s32 s4, s20  }
0x14: {  	s7 =	simm.s32 $0x0;
	s21 =	sshll.u32 s5, $0x1;
	s5 =	sadd.s32 s22, s3  }
0x15: {  	[timem:s7], [sflag:s23] =	dma.local [hbm:s5], s21  }
0x16: {  	_ =	swait.ge [sflag:s23], s21  }
0x17: {  	s4 =	ssub.s32 $0x0, s21;
	[sflag:s23] =	ssyncset.done $0x0  }
0x18: {  	[sflag:s23] =	ssyncadd.s32 s4;
	_ =	sdelay $0x1  }
0x19: {  	s24 =	simm.s32 $0x1B8B  }
0x1a: {  	_ =	swait.ge [sflag:s24], $0x1  }
0x1b: {  	[sflag:s24] =	ssyncset.done $0x0  }
0x1c: {  	s26 =	simm.s32 $0x1B8E;
	s25 =	sld [smem:$0x3FFE];
	[sflag:s24] =	ssyncadd.s32 $0xFFFFFFFF  }
0x1d: {  	s27 =	simm.s32 $execute0_lowered;
	[smem:$0x3FD2] =	sst s26  }
0x1e: {  	s5 =	sshll.u32 s27, $0x1;
	_ =	strace $0x80000049;
	[dreg:$0x1] =	wrdreg $0xFFFFFFFF  }
0x1f: {  	s28 =	simm.s32 $_size_execute0_lowered;
	s3 =	sadd.s32 s3, s5;
	[dreg:$0x0] =	wrdreg $0x0  }
0x20: {  	s5 =	sshll.u32 s28, $0x1;
	[dreg:$0x2] =	wrdreg s3  }
0x21: {  	[dreg:$0x3] =	wrdreg s5  }
0x22: {  	[dreg:$0x4] =	wrdreg $0xC0  }
0x23: {  	_ =	task [dreg:s7], $0x5FFFF  }
0x24: {  	[dreg:$0x1] =	wrdreg $0xFFFFFFFF  }
0x25: {  	[dreg:$0x0] =	wrdreg $0x60  }
0x26: {  	[dreg:$0x2] =	wrdreg s25  }
0x27: {  	[dreg:$0x3] =	wrdreg s2  }
0x28: {  	[dreg:$0x4] =	wrdreg $0x9  }
0x29: {  	_ =	task.clear_ibuf [dreg:s7], $0x5FFFF;
	_ =	strace $0x90000049  }
0x2a: {  	s29 =	simm.s32 $0x9;
	_ =	strace $0x8000004B  }
0x2b: {  	_ =	swait.ge [sflag:s29], $0x1  }
0x2c: {  	[sflag:s29] =	ssyncadd.s32 $0xFFFFFFFF  }
0x2d: {  	_ =	strace $0x9000004B  }
0x2e: {  	_ =	sfence  }
0x2f: {  	s30 =	sld [smem:$0x0];
	_ =	sdelay $0x2  }
0x30: {  	s31 =	sshll.u32 s1, $0xD;
	s1 =	sshrl.u32 s1, $0x2  }
0x31: {  	s3 =	sand.u32 $0x4000, s31;
	s1 =	sadd.s32 s1, s30  }
0x32: {  	s0 =	sor.u32 s3, s0;
	s1 =	sshll.u32 s1, $0x11  }
0x33: {  	s0 =	sor.u32 s1, s0  }
0x34: {  	s0 =	sadd.s32 $0x8F2B, s0  }
0x35: {  	[sflag:s0] =	ssyncadd.remote.s32 $0x1  }
0x36: {  	_ =	sfence.sel $0xFFFF  }
0x37: {  	[dreg:$0x0] =	wrdreg $0xFFFFFFFF;
	(pc) =	sbr.abs _section_cstart, $3  }
0x38: {  	[dreg:$0x1] =	wrdreg $0xFFFFFFFF  }
0x39: {  	_ =	task.clear_ibuf [dreg:s7], $0x2FFFF;
	_ =	strace $0x9FFFFFFF  }
0x3a: {  	(tm) =	ssettm $0x7FFFFFFF  }
0x3b: {  	_ =	shalt  }
tec
execute0_lowered:
.L_overlay_start_1:
0x0: {  	(tag) =	ssettag $0x1  }
0x1: {  	s2 =	stileid.u32  }
0x2: {  	s0 =	srdreg.scid;
	s3 =	rddreg [dreg:$0x0];
	_ =	strace $0x8000004A  }
0x3: {  	s1 =	sshll.u32 s2, $0x3;
	s2 =	sshll.u32 s2, $0x2;
	s0 =	sshll.u32 s0, $0x6  }
0x4: {  	s31 =	simm.s32 $0x2;
	s1 =	sand.u32 $0x8, s1;
	s0 =	sor.u32 s2, s0  }
0x5: {  	s19 =	simm.s32 $0x0;
	s2 =	sand.u32 $0x78, s0;
	s29 =	ssub.s32 $0x10, s1  }
0x6: {  	s10 =	simm.s32 $0x1000;
	s4 =	sshrl.u32 s29, $0x3;
	s5 =	ssub.s32 $0xB0, s2  }
0x7: {  	s0 =	sshrl.u32 s29, $0x4;
	s4 =	sand.u32 $0x1, s4;
	s5 =	sshrl.u32 s5, $0x7  }
0x8: {  	s11 =	simm.s32 $0x0;
	s0 =	sadd.s32 s0, s4;
	s30 =	sadd.s32 $0x1, s5  }
0x9: {  	s21 =	simm.s32 $0x0;
	s20 =	simm.s32 $0x0;
	s0 =	smul.u32 s30, s0  }
.Ltmp0:
0xa: {  	s12 =	simm.s32 $0x0;
	s13 =	simm.s32 $0x0;
	(pc) =	sbr.rel .LBB1_1-.Ltmp0, $4  }
0xb: {  	s14 =	simm.s32 $0x0;
	s16 =	simm.s32 $0x0;
	s18 =	simm.s32 $0x0  }
0xc: {  	s27 =	simm.s32 $0x0;
	s5 =	simm.s32 $0x1;
	s6 =	smul.u32 $0x12, s0  }
0xd: {  	s7 =	sadd.s32 $0x1200, s3;
	s17 =	smov.u32 s1;
	[sflag:s5] =	ssyncpa.u1 $0x0  }
0xe: {  	s15 =	smov.u32 s2;
	[sflag:s31] =	ssyncpa.u1 $0x0;
	s8 =	sor.u32 $0x1, s6  }
.LBB1_7:
0xf: {  	p0 =	slt.u32 s18, $0x2  }
0x10: {  	s0 =	smov.u32 s21;
	p1 =	sgt.s32 @!p0 s21, $0x11  }
0x11: {  	s3 =	sshra.s32 @!p0 s21, $0x1F;
	p3 =	sgt.s32 @!p0 s20, $0x8;
	s4 =	sshra.s32 @!p0 s20, $0x1F  }
0x12: {  	p1 =	por !p1, p0;
	s3 =	sand.u32 @!p0 s3, s21;
	p3 =	por !p3, p0  }
0x13: {  	s4 =	sand.u32 @!p0 s4, s20;
	s0 =	simm.s32 @p1 $0x11;
	p1 =	sgt.s32 @!p0 s19, $0xAC  }
0x14: {  	s20 =	simm.s32 @p3 $0x8;
	s0 =	ssub.s32 @!p0 s0, s3;
	p1 =	por !p1, p0  }
0x15: {  	s4 =	ssub.s32 @!p0 s20, s4;
	s3 =	sadd.s32 @!p0 $0xFFFFFFEF, s0;
	s0 =	ssub.s32 @!p0 $0x12, s0  }
0x16: {  	s4 =	sadd.s32 @!p0 $0xFFFFFFF8, s4;
	p2 =	sgt.s32 @!p0 s3, $0x0;
	s3 =	sshra.s32 @!p0 s19, $0x1F  }
0x17: {  	s3 =	sand.u32 @!p0 s3, s19;
	s19 =	simm.s32 @p1 $0xAC;
	p1 =	por !p2, p0  }
0x18: {  	p2 =	sgt.s32 @!p0 s4, $0x7;
	s4 =	sshll.u32 @!p0 s4, $0x8;
	s3 =	ssub.s32 @!p0 s19, s3  }
0x19: {  	s0 =	simm.s32 @!p1 $0x0;
	s4 =	ssub.s32 @!p0 $0x800, s4;
	p2 =	por !p2, p0  }
0x1a: {  	s9 =	sadd.s32 @!p0 $0xFFFFFF54, s3;
	s3 =	ssub.s32 @!p0 $0xB4, s3;
	s4 =	simm.s32 @!p2 $0x0  }
0x1b: {  	p1 =	sgt.s32 @!p0 s9, $0x7;
	s9 =	sadd.s32 $0x80, s15;
	s0 =	smul.u32 @!p0 s0, s4  }
0x1c: {  	s4 =	simm.s32 $0x1;
	p1 =	por !p1, p0;
	p2 =	sgt.s32 s9, $0xB3  }
0x1d: {  	s3 =	simm.s32 @!p1 $0x0;
	s4 =	simm.s32 @!p2 $0x0  }
0x1e: {  	s0 =	smul.u32 @!p0 s3, s0;
	s3 =	sadd.s32 s4, s16  }
0x1f: {  	s22 =	smov.u32 s17;
	s4 =	sadd.s32 $0x10, s17;
	p1 =	sgt.s32 s3, $0x11  }
0x20: {  	s11 =	sadd.s32 $0x4000, s11;
	s21 =	smov.u32 s13;
	s22 =	smov.u32 @p1 s4  }
0x21: {  	s13 =	smov.u32 s16;
	s3 =	simm.s32 @p1 $0x0;
	p1 =	sgt.s32 s22, $0xF  }
0x22: {  	s20 =	smov.u32 s14;
	s22 =	smov.u32 @p1 s1;
	p1 =	sne.s32 s18, s8  }
.Ltmp1:
0x23: {  	s14 =	smov.u32 s17;
	s19 =	smov.u32 s12;
	(pc) =	sbr.rel @!p1 .LBB1_8-.Ltmp1, $4  }
0x24: {  	s9 =	smov.u32 @p2 s2;
	s0 =	sand.u32 @!p0 $0x3FFFFF00, s0;
	s4 =	simm.s32 @!p0 $0x2  }
0x25: {  	s12 =	smov.u32 s15;
	s15 =	smov.u32 s9;
	_ =	swait.ge @!p0 [sflag:s4], s0  }
0x26: {  	s0 =	ssub.s32 @!p0 $0x0, s0;
	s16 =	smov.u32 s3;
	[sflag:s4] =	ssyncset.done @!p0 $0x0  }
0x27: {  	s18 =	sadd.s32 $0x1, s18;
	[sflag:s4] =	ssyncadd.s32 @!p0 s0;
	s17 =	smov.u32 s22  }
.LBB1_1:
0x28: {  	p0 =	sge.u32 s18, s6  }
0x29: {  	s0 =	sshll.u32 @!p0 s15, $0x8;
	s3 =	sshll.u32 @!p0 s15, $0x7  }
0x2a: {  	s0 =	sand.u32 @!p0 $0xFFFFF800, s0;
	s3 =	sand.u32 @!p0 $0x300, s3  }
0x2b: {  	s0 =	sor.u32 @!p0 s3, s0  }
0x2c: {  	s0 =	sshrl.u32 @!p0 s0, $0x8  }
0x2d: {  	s3 =	smulhi.u32 @!p0 $0x1642C86, s0  }
0x2e: {  	s4 =	smul.u32 @!p0 $0x19E00, s17  }
0x2f: {  	s3 =	smul.u32 @!p0 $0xB8, s3  }
0x30: {  	s31 =	sadd.s32 $0xFFFFFFFF, s18;
	s9 =	sxor.u32 @!p0 $0xFFFFFFFF, s18;
	s22 =	smul.u32 @!p0 $0x1700, s16  }
0x31: {  	s4 =	sadd.s32 @!p0 s7, s4;
	s0 =	ssub.s32 @!p0 s0, s3;
	s3 =	sshll.u32 @!p0 s15, $0x4  }
0x32: {  	s9 =	sshll.u32 @!p0 s9, $0xE;
	s4 =	sadd.s32 @!p0 s22, s4;
	s3 =	sand.u32 @!p0 $0x10, s3  }
0x33: {  	s9 =	sand.u32 @!p0 $0x4000, s9;
	s0 =	sshll.u32 @!p0 s0, $0x5;
	s3 =	sadd.s32 @!p0 s3, s4  }
0x34: {  	s4 =	simm.s32 @!p0 $0xCF000;
	s0 =	sadd.s32 @!p0 s0, s3;
	s3 =	simm.s32 @!p0 $0x800  }
0x35: {  	[tilespmem:s9], [sflag:$0x1] =	stream.strided.gather @!p0 [hbm4b:s0+s3], $0x4000, s4, s3, $0x38;
	[tilespmem:$0x10000] =	vst v63  }
0x36: {  	p0 =	sge.u32 s31, s6  }
.Ltmp2:
0x37: {  	_ = 	snop;
	(pc) =	sbr.rel @p0 .LBB1_7-.Ltmp2, $1  }
0x38: {  	_ =	sdelay $0x3  }
0x39: {  	s0 =	sshll.u32 s11, $0x2;
	_ =	swait.ge [sflag:s5], $0x4000;
	s4 =	sshll.u32 s18, $0xE  }
0x3a: {  	p0 =	por $0x0, $0x0;
	s28 =	simm.s32 $0x0;
	s29 =	simm.s32 $0x0  }
0x3b: {  	s0 =	sand.u32 $0x10000, s0;
	[sflag:s5] =	ssyncset.done $0x0;
	s25 =	sand.u32 $0x4000, s4  }
0x3c: {  	s0 =	sshrl.u32 s0, $0x2;
	[sflag:s5] =	ssyncadd.s32 $0xFFFFC000;
	s22 =	sor.u32 $0x8000, s25  }
0x3d: {  	s23 =	sor.u32 $0x40, s0;
	s3 =	sor.u32 $0x8410, s0;
	s26 =	sadd.s32 $0x8400, s0  }
.LBB1_3:
0x3e: {  	v1 =	vld [tilespmem:s23+$0xFFFFFFD0]  }
0x3f: {  	v2 =	vld [tilespmem:s23+$0x430]  }
0x40: {  	s0 =	sshll.u32 s29, $0xB;
	v4 =	vld [tilespmem:s23+$0xFFFFFFE0]  }
0x41: {  	v7 =	vld [tilespmem:s23+$0xFFFFFFF0];
	v0 =	vmov s0  }
0x42: {  	v8 =	vld [tilespmem:s23+$0x0]  }
0x43: {  	s9 =	sand.u32 $0x300, s27;
	v9 =	vld [tilespmem:s23+$0x10]  }
0x44: {  	s4 =	sand.u32 $0x80, s27;
	v10 =	vld [tilespmem:s23+$0x20];
	s0 =	sadd.s32 s9, s25  }
0x45: {  	v11 =	vld [tilespmem:s23+$0x30];
	s0 =	sadd.s32 s4, s0;
	s4 =	simm.s32 $0x1;
	[tilespmem:s3+$0x60] =	vst v2  }
0x46: {  	s24 =	sshll.u32 s28, $0x2;
	s4 =	simm.s32 @!p0 $0x0;
	[tilespmem:s3+$0xFFFFFC00] =	vst v1;
	v3 =	vld.idx.msk [tilespmem:v0+s0+$0x400 ss:$0x1], $0xffff  }
0x47: {  	v6 =	vld [tilespmem:s23+$0x3D0];
	s4 =	sshll.u32 s4, $0x9;
	[tilespmem:s3+$0xFFFFFC10] =	vst v4;
	s0 =	sand.u32 $0xFFFFFC00, s24  }
0x48: {  	v5 =	vld [tilespmem:s23+$0x3E0];
	[tilespmem:s3+$0xFFFFFC20] =	vst v7;
	s0 =	sor.u32 s4, s0  }
0x49: {  	[tilespmem:s3+$0xFFFFFC30] =	vst v8;
	v4 =	vld [tilespmem:s23+$0x400];
	s0 =	sshrl.u32 s0, $0x2  }
0x4a: {  	[tilespmem:s3+$0xFFFFFC40] =	vst v9;
	v1 =	vld [tilespmem:s23+$0x410];
	s30 =	sadd.s32 s0, s26  }
0x4b: {  	[tilespmem:s30+$0x0] =	vst v3;
	v3 =	vld [tilespmem:s23+$0x3F0]  }
0x4c: {  	s31 =	sadd.s32 $0x80, s23;
	[tilespmem:s3+$0xFFFFFC50] =	vst v10;
	v2 =	vld [tilespmem:s23+$0x420];
	s4 =	simm.s32 $0x80  }
0x4d: {  	v7 =	vld [tilespmem:s23+$0xFFFFFFC0];
	[tilespmem:s3+$0xFFFFFC60] =	vst v11;
	s24 =	smov.u32 s3;
	s9 =	sand.u32 $0x300, s4;
	s0 =	simm.s32 $0x100  }
.LBB1_4:
0x4e: {  	p1 =	sne.s32 s0, $0x380;
	v8 =	vld [tilespmem:s31+$0xFFFFFFD0];
	s4 =	sand.u32 $0x80, s4;
	s9 =	sadd.s32 s9, s25;
	[tilespmem:s24+$0x0] =	vst v6  }
0x4f: {  	s9 =	sadd.s32 s4, s9;
	v6 =	vld [tilespmem:s31+$0x430];
	[tilespmem:s24+$0x10] =	vst v5;
	s4 =	smov.u32 s0  }
0x50: {  	v5 =	vld.idx.msk [tilespmem:v0+s9+$0x400 ss:$0x1], $0xffff;
	[tilespmem:s24+$0x20] =	vst v3  }
0x51: {  	v3 =	vld [tilespmem:s31+$0xFFFFFFE0];
	[tilespmem:s24+$0x30] =	vst v4  }
0x52: {  	v4 =	vld [tilespmem:s31+$0xFFFFFFF0];
	[tilespmem:s24+$0xFFFFFBF0] =	vst v7  }
0x53: {  	v7 =	vld [tilespmem:s31+$0x0];
	[tilespmem:s24+$0x40] =	vst v1  }
0x54: {  	v1 =	vld [tilespmem:s31+$0x10];
	[tilespmem:s24+$0x50] =	vst v2;
	s24 =	sadd.s32 $0x800, s24  }
0x55: {  	s30 =	sadd.s32 $0x800, s30;
	v2 =	vld [tilespmem:s31+$0x20];
	[tilespmem:s24+$0x60] =	vst v6  }
0x56: {  	v9 =	vld [tilespmem:s31+$0x30];
	[tilespmem:s30+$0x0] =	vst v5  }
0x57: {  	[tilespmem:s24+$0xFFFFFC00] =	vst v8;
	v6 =	vld [tilespmem:s31+$0x3D0]  }
0x58: {  	[tilespmem:s24+$0xFFFFFC10] =	vst v3;
	v5 =	vld [tilespmem:s31+$0x3E0]  }
.Ltmp3:
0x59: {  	[tilespmem:s24+$0xFFFFFC20] =	vst v4;
	v3 =	vld [tilespmem:s31+$0x3F0];
	(pc) =	sbr.rel @p1 .LBB1_4-.Ltmp3, $4  }
0x5a: {  	[tilespmem:s24+$0xFFFFFC30] =	vst v7;
	v4 =	vld [tilespmem:s31+$0x400]  }
0x5b: {  	[tilespmem:s24+$0xFFFFFC40] =	vst v1;
	v1 =	vld [tilespmem:s31+$0x410]  }
0x5c: {  	[tilespmem:s24+$0xFFFFFC50] =	vst v2;
	v2 =	vld [tilespmem:s31+$0x420]  }
0x5d: {  	s0 =	sadd.s32 $0x80, s0;
	s9 =	sand.u32 $0x300, s4;
	v7 =	vld [tilespmem:s31+$0xFFFFFFC0];
	[tilespmem:s24+$0xFFFFFC60] =	vst v9;
	s31 =	sadd.s32 $0x80, s31  }
0x5e: {  	[tilespmem:s24+$0x0] =	vst v6  }
0x5f: {  	[tilespmem:s24+$0x10] =	vst v5  }
0x60: {  	v49 =	vld [tilespmem:s31+$0x430];
	[tilespmem:s24+$0x20] =	vst v3  }
0x61: {  	v50 =	vld [tilespmem:s31+$0xFFFFFFD0];
	[tilespmem:s24+$0x30] =	vst v4  }
0x62: {  	v51 =	vld [tilespmem:s31+$0xFFFFFFE0];
	[tilespmem:s24+$0x40] =	vst v1  }
0x63: {  	v52 =	vld [tilespmem:s31+$0xFFFFFFF0];
	[tilespmem:s24+$0x50] =	vst v2  }
0x64: {  	v53 =	vld [tilespmem:s31+$0x0];
	[tilespmem:s24+$0xFFFFFBF0] =	vst v7;
	s24 =	sadd.s32 $0x800, s24  }
0x65: {  	v54 =	vld [tilespmem:s31+$0x10];
	[tilespmem:s24+$0x60] =	vst v49  }
0x66: {  	v55 =	vld [tilespmem:s31+$0x20];
	[tilespmem:s24+$0xFFFFFC00] =	vst v50  }
0x67: {  	v56 =	vld [tilespmem:s31+$0x30];
	[tilespmem:s24+$0xFFFFFC10] =	vst v51  }
0x68: {  	v57 =	vld [tilespmem:s31+$0x3D0];
	[tilespmem:s24+$0xFFFFFC20] =	vst v52  }
0x69: {  	v58 =	vld [tilespmem:s31+$0x3E0];
	[tilespmem:s24+$0xFFFFFC30] =	vst v53  }
0x6a: {  	v59 =	vld [tilespmem:s31+$0x3F0];
	[tilespmem:s24+$0xFFFFFC40] =	vst v54  }
0x6b: {  	v60 =	vld [tilespmem:s31+$0x400];
	[tilespmem:s24+$0xFFFFFC50] =	vst v55  }
0x6c: {  	v61 =	vld [tilespmem:s31+$0xFFFFFFC0];
	[tilespmem:s24+$0xFFFFFC60] =	vst v56  }
0x6d: {  	s0 =	sand.u32 $0x80, s4;
	s9 =	sadd.s32 s9, s25;
	v62 =	vld [tilespmem:s31+$0x410];
	[tilespmem:s24+$0x0] =	vst v57  }
0x6e: {  	v63 =	vld [tilespmem:s31+$0x420];
	s29 =	sadd.s32 $0x1, s29;
	s0 =	sadd.s32 s0, s9;
	[tilespmem:s24+$0x10] =	vst v58  }
0x6f: {  	p1 =	sne.s32 s29, $0x8;
	v0 =	vld.idx.msk [tilespmem:v0+s0+$0x400 ss:$0x1], $0xffff;
	[tilespmem:s24+$0x20] =	vst v59  }
.Ltmp4:
0x70: {  	[tilespmem:s24+$0x30] =	vst v60;
	(pc) =	sbr.rel @p1 .LBB1_3-.Ltmp4, $4  }
0x71: {  	[tilespmem:s24+$0xFFFFFBF0] =	vst v61  }
0x72: {  	[tilespmem:s24+$0x40] =	vst v62  }
0x73: {  	s30 =	sadd.s32 $0x800, s30;
	s23 =	sadd.s32 $0x800, s23;
	[tilespmem:s24+$0x50] =	vst v63  }
0x74: {  	s28 =	sadd.s32 $0x80, s28;
	p0 =	por !p0, !p0;
	s3 =	sadd.s32 $0x80, s3;
	[tilespmem:s30+$0x0] =	vst v0  }
0x75: {  	p0 =	sgt.s32 s13, $0x11  }
0x76: {  	s0 =	smov.u32 s13;
	s3 =	sshra.s32 s13, $0x1F;
	s9 =	sshra.s32 s14, $0x1F  }
0x77: {  	s23 =	sshra.s32 s12, $0x1F;
	s24 =	sshll.u32 s14, $0x8;
	s26 =	sshll.u32 s14, $0x7  }
0x78: {  	s28 =	smul.u32 $0x16800, s13;
	s29 =	sshll.u32 s12, $0x9;
	s30 =	rddreg [dreg:$0x1]  }
0x79: {  	s0 =	simm.s32 @!p0 $0x11;
	s3 =	sand.u32 s3, s13;
	p0 =	sgt.s32 s14, $0x8  }
0x7a: {  	s9 =	sand.u32 s9, s14;
	s0 =	ssub.s32 s0, s3;
	s3 =	smov.u32 s14  }
0x7b: {  	s4 =	sadd.s32 $0xFFFFFFEF, s0;
	s3 =	simm.s32 @!p0 $0x8;
	s0 =	ssub.s32 $0x12, s0  }
0x7c: {  	p0 =	sgt.s32 s4, $0x0;
	s3 =	ssub.s32 s3, s9;
	s4 =	smov.u32 s12  }
0x7d: {  	s0 =	simm.s32 @p0 $0x0;
	p0 =	sgt.s32 s12, $0xAC;
	s3 =	sadd.s32 $0xFFFFFFF8, s3  }
0x7e: {  	s9 =	sand.u32 s23, s12;
	s4 =	simm.s32 @!p0 $0xAC;
	s23 =	sshll.u32 s3, $0x8  }
0x7f: {  	p0 =	sgt.s32 s3, $0x7;
	s4 =	ssub.s32 s4, s9;
	s3 =	ssub.s32 $0x800, s23  }
0x80: {  	s9 =	sand.u32 $0x800, s24;
	s25 =	sadd.s32 $0xFFFFFF54, s4;
	s3 =	simm.s32 @p0 $0x0  }
0x81: {  	s4 =	ssub.s32 $0xB4, s4;
	p0 =	sgt.s32 s25, $0x7;
	s0 =	smul.u32 s0, s3  }
.Ltmp5:
0x82: {  	s3 =	sand.u32 $0x380, s26;
	s4 =	simm.s32 @p0 $0x0;
	(pc) =	sbr.rel .LBB1_7-.Ltmp5, $4  }
0x83: {  	s3 =	sor.u32 s3, s9;
	s9 =	sadd.s32 s30, s28;
	s0 =	smul.u32 s4, s0  }
0x84: {  	s3 =	sshrl.u32 s3, $0x3;
	s4 =	sadd.s32 s29, s9  }
0x85: {  	s31 =	simm.s32 $0x800;
	s3 =	sadd.s32 s3, s4;
	s0 =	sand.u32 $0x3FFFFF00, s0  }
0x86: {  	[hbm4b:s3+s31] =	stream.strided.scatter [tilespmem:s22], [sflag:$0x2], s0, s10, s31, $0x38;
	[tilespmem:$0x10000] =	vst v63  }
.LBB1_8:
0x87: {  	_ =	sfence.sel $0x180000  }
0x88: {  	s0 =	simm.s32 $0x1;
	[bflag:$0x0] =	sbarrier.arrive $0xFFFF  }
0x89: {  	s30 =	simm.s32 $0x2;
	[sflag:s0] =	ssyncpa.u1 $0x1  }
0x8a: {  	[sflag:s30] =	ssyncpa.u1 $0x1  }
0x8b: {  	_ =	strace $0x9000004A  }
0x8c: {  	s31 =	stileid.u32;
	[bflag:$0x2] =	sbarrier.arrive $0xFFFF  }
0x8d: {  	p0 =	sne.s32 s31, $0x0;
	s0 =	rddreg [dreg:$0x2]  }
0x8e: {  	s0 =	sadd.s32 @!p0 $0x100000, s0  }
0x8f: {  	[sflag:s0] =	ssyncadd.tile.s32 @!p0 $0x1;
	_ =	shalt  }
.Lfunc_end1:
_tile_overlayer_lowered:
.L_overlay_start_2:
0x90: {  	(tag) =	ssettag $0x2  }
0x91: {  	s0 =	rddreg [dreg:$0x0];
	s2 =	stileid.u32  }
0x92: {  	s1 =	rddreg [dreg:$0x1];
	p0 =	sne.s32 s2, $0x0  }
0x93: {  	s3 =	rddreg [dreg:$0x2];
	[bflag:$0x3] =	sbarrier.arrive $0xFFFF;
	s2 =	simm.s32 @!p0 $0x1C01  }
0x94: {  	[timem:s3], [sflag:s2] =	dma.local @!p0 [hbm:s0], s1  }
0x95: {  	s0 =	simm.s32 @!p0 $0x1  }
0x96: {  	_ =	swait.ge @!p0 [sflag:s0], s1  }
0x97: {  	s1 =	ssub.s32 @!p0 $0x0, s1;
	[sflag:s0] =	ssyncset.done @!p0 $0x0  }
0x98: {  	[sflag:s0] =	ssyncadd.s32 @!p0 s1  }
0x99: {  	[bflag:$0x3] =	sbarrier.arrive $0xFFFF  }
0x9a: {  	_ =	shalt  }

</sc_bundles>
